<compile_context>
chip_gen: v7x
topology: tpu7x:2x2x1
jax: 0.10.2.dev20260603
libtpu: 0.0.44.dev20260713+nightly
codegen_flags: <defaults>
</compile_context>

<pallas_src>
import functools

import jax
import jax.numpy as jnp
from jax import lax
from jax.experimental import pallas as pl
from jax.experimental.pallas import tpu as pltpu
from jax.experimental.pallas import tpu_sc as plsc

N_NODES = 100000
D_FEAT = 128
B = 1024
L = 200
D_OUT = 256

NC, NS = 2, 16
NW = NC * NS
RPW = B // NW
NCH = 2
CH = L // NCH
NV = D_FEAT // 16


def _sc_gather_max(table, idx2d):
    mesh = plsc.VectorSubcoreMesh(core_axis_name="c", subcore_axis_name="s")

    @functools.partial(
        pl.kernel,
        mesh=mesh,
        out_type=jax.ShapeDtypeStruct((B, D_FEAT), jnp.float32),
        scratch_types=[
            pltpu.VMEM((RPW * NCH, CH), jnp.int32),
            pltpu.VMEM((L, D_FEAT), jnp.float32),
            pltpu.VMEM((L, D_FEAT), jnp.float32),
            pltpu.VMEM((RPW, D_FEAT), jnp.float32),
            pltpu.SemaphoreType.DMA,
            pltpu.SemaphoreType.DMA,
        ],
    )
    def k(table_hbm, idx_hbm, out_hbm, idx_v, buf_a, buf_b, res_v, sem_a,
          sem_b):
        wid = lax.axis_index("s") * NC + lax.axis_index("c")
        rows0 = wid * (RPW * NCH)
        pltpu.sync_copy(idx_hbm.at[pl.ds(rows0, RPW * NCH)], idx_v)

        def issue(rt, buf, sem):
            pltpu.async_copy(
                table_hbm.at[idx_v.at[NCH * rt]], buf.at[pl.ds(0, CH)], sem)
            pltpu.async_copy(
                table_hbm.at[idx_v.at[NCH * rt + 1]], buf.at[pl.ds(CH, CH)],
                sem)

        def drain(buf, sem):
            pltpu.make_async_copy(
                table_hbm.at[idx_v.at[0]], buf.at[pl.ds(0, CH)], sem).wait()
            pltpu.make_async_copy(
                table_hbm.at[idx_v.at[0]], buf.at[pl.ds(CH, CH)], sem).wait()

        def reduce(rt, buf):
            def lbody(l, accs):
                return tuple(
                    jnp.maximum(a, buf[l, pl.ds(d * 16, 16)])
                    for d, a in enumerate(accs))

            init = tuple(
                jnp.full((16,), -jnp.inf, jnp.float32) for _ in range(NV))
            accs = lax.fori_loop(0, L, lbody, init, unroll=8)
            for d in range(NV):
                res_v[rt, pl.ds(d * 16, 16)] = accs[d]

        issue(0, buf_a, sem_a)

        def pair_body(i, carry):
            issue(2 * i + 1, buf_b, sem_b)
            drain(buf_a, sem_a)
            reduce(2 * i, buf_a)

            @pl.when(i < RPW // 2 - 1)
            def _():
                issue(2 * i + 2, buf_a, sem_a)

            drain(buf_b, sem_b)
            reduce(2 * i + 1, buf_b)
            return carry

        lax.fori_loop(0, RPW // 2, pair_body, 0)
        pltpu.sync_copy(res_v, out_hbm.at[pl.ds(wid * RPW, RPW)])

    return k(table, idx2d)


def _tc_head(x, W, b, gamma, beta):

    def body(x_ref, w_ref, b_ref, g_ref, be_ref, o_ref):
        h = jnp.dot(x_ref[...], w_ref[...],
                    preferred_element_type=jnp.float32)
        h = h + b_ref[...]
        mean = jnp.mean(h, axis=-1, keepdims=True)
        c = h - mean
        var = jnp.mean(c * c, axis=-1, keepdims=True)
        hn = c * lax.rsqrt(var + 1e-5)
        hn = hn * g_ref[...] + be_ref[...]
        o_ref[...] = jnp.maximum(hn, 0.0)

    return pl.pallas_call(
        body,
        out_shape=jax.ShapeDtypeStruct((B, D_OUT), jnp.float32),
    )(x, W, b.reshape(1, D_OUT), gamma.reshape(1, D_OUT),
      beta.reshape(1, D_OUT))


def kernel(graph_embedding, locations_idx, W, b, gamma, beta):
    idx2d = locations_idx.astype(jnp.int32).reshape(B * NCH, CH)
    x = _sc_gather_max(graph_embedding, idx2d)
    return _tc_head(x, W, b, gamma, beta)

# --- scband reference (transcript-rebuilt; emitter-appended) ---
"""Pipeline reference for scband-routes-encoder-14044543058415 (READ-ONLY COPY).

The authoritative reference and input builder live on the scoring server;
editing this copy changes nothing except your own understanding.
"""

import jax, jax.numpy as jnp
import numpy as np

N_NODES = 100000
D_FEAT = 128
B = 1024
L = 200
D_OUT = 256

def setup_inputs(seed: int = 0) -> dict:
    key = jax.random.key(seed)
    k1, k2, k3, k4 = jax.random.split(key, 4)
    graph_embedding = jax.random.normal(k1, (N_NODES, D_FEAT), dtype=jnp.float32)
    locations_idx = jax.random.randint(k2, (B, L), 0, N_NODES, dtype=jnp.int64)
    W = jax.random.normal(k3, (D_FEAT, D_OUT), dtype=jnp.float32) * (1.0 / np.sqrt(D_FEAT))
    b = jnp.zeros((D_OUT,), dtype=jnp.float32)
    gamma = jnp.ones((D_OUT,), dtype=jnp.float32)
    beta = jnp.zeros((D_OUT,), dtype=jnp.float32)
    return {"graph_embedding": graph_embedding, "locations_idx": locations_idx,
            "W": W, "b": b, "gamma": gamma, "beta": beta}

def reference(graph_embedding, locations_idx, W, b, gamma, beta):
    # Gather per-route location embeddings: equivalent to the python loop of
    # graph_embedding[locations_idx_for_route] stacked along dim 0.
    gathered = jnp.take(graph_embedding, locations_idx, axis=0)  # [B, L, D_FEAT]
    # torch.max over route positions (values only)
    routes_embedding = jnp.max(gathered, axis=1)  # [B, D_FEAT]
    # LinearBlockWithNormalization: Linear -> LayerNorm -> ReLU
    h = routes_embedding @ W + b  # [B, D_OUT]
    mean = jnp.mean(h, axis=-1, keepdims=True)
    var = jnp.var(h, axis=-1, keepdims=True)
    h = (h - mean) / jnp.sqrt(var + 1e-5)
    h = h * gamma + beta
    return jax.nn.relu(h)

if __name__ == "__main__":
    import jax
    _d = setup_inputs()
    print(jax.jit(kernel)(*tuple(_d.values())))

</pallas_src>

<mosaic_0001>
#map = affine_map<(d0, d1) -> (0, 0)>
module attributes {stable_mosaic.version = 14 : i64} {
  func.func @k(%arg0: i32, %arg1: i32, %arg2: memref<100000x128xf32, #tpu.memory_space<hbm>>, %arg3: memref<2048x100xi32, #tpu.memory_space<hbm>>, %arg4: memref<1024x128xf32, #tpu.memory_space<hbm>>, %arg5: memref<64x100xi32, #tpu.memory_space<vmem>>, %arg6: memref<200x128xf32, #tpu.memory_space<vmem>>, %arg7: memref<200x128xf32, #tpu.memory_space<vmem>>, %arg8: memref<32x128xf32, #tpu.memory_space<vmem>>, %arg9: memref<!tpu.dma_semaphore, #tpu.memory_space<semaphore_mem>>, %arg10: memref<!tpu.dma_semaphore, #tpu.memory_space<semaphore_mem>>) attributes {dimension_semantics = [#tpu.dimension_semantics<core_parallel>, #tpu.dimension_semantics<subcore_parallel>], iteration_bounds = array<i64: 2, 16>, scalar_prefetch = 0 : i64, scratch_operands = 6 : i64, tpu.core_type = #tpu.core_type<sc_vector_subcore>, window_params = [{transform_indices = #map}, {transform_indices = #map}, {transform_indices = #map}]} {
    %mul3A = arith.constant 2 : i32
    %mul3A_0 = arith.muli %arg1, %mul3A : i32
    %add3A = arith.addi %mul3A_0, %arg0 : i32
    %mul3A_1 = arith.constant 64 : i32
    %mul3A_2 = arith.muli %add3A, %mul3A_1 : i32
    "tpu.region"() ({
      %run_scoped3A = tpu.sem_alloc : memref<!tpu.dma_semaphore, #tpu.memory_space<semaphore_mem>>
      %dma_start3A_29 = arith.constant 0 : i32
      %dma_start3A_30 = tpu.memref_slice %arg3[%mul3A_2, %dma_start3A_29] : memref<2048x100xi32, #tpu.memory_space<hbm>> -> memref<64x100xi32, #tpu.memory_space<hbm>>
      %dma_start3A_31 = arith.constant 0 : i32
      %dma_start3A_32 = tpu.memref_slice %arg3[%mul3A_2, %dma_start3A_31] : memref<2048x100xi32, #tpu.memory_space<hbm>> -> memref<64x100xi32, #tpu.memory_space<hbm>>
      tpu.enqueue_dma source(%dma_start3A_32 : memref<64x100xi32, #tpu.memory_space<hbm>>) target(%arg5 : memref<64x100xi32, #tpu.memory_space<vmem>>) target_semaphore(%run_scoped3A : memref<!tpu.dma_semaphore, #tpu.memory_space<semaphore_mem>>)
      %dma_wait3A = arith.constant 0 : i32
      %dma_wait3A_33 = tpu.memref_slice %arg3[%mul3A_2, %dma_wait3A] : memref<2048x100xi32, #tpu.memory_space<hbm>> -> memref<64x100xi32, #tpu.memory_space<hbm>>
      %dma_wait3A_34 = arith.constant 0 : i32
      %dma_wait3A_35 = tpu.memref_slice %arg3[%mul3A_2, %dma_wait3A_34] : memref<2048x100xi32, #tpu.memory_space<hbm>> -> memref<64x100xi32, #tpu.memory_space<hbm>>
      tpu.wait_dma2 semaphore(%run_scoped3A : memref<!tpu.dma_semaphore, #tpu.memory_space<semaphore_mem>>) src(%dma_wait3A_35 : memref<64x100xi32, #tpu.memory_space<hbm>>) dst(%arg5 : memref<64x100xi32, #tpu.memory_space<vmem>>)
      tpu.yield
    }) : () -> ()
    %dma_start3A = arith.constant 0 : i32
    %dma_start3A_3 = arith.constant 0 : i32
    %dma_start3A_4 = arith.constant 0 : i32
    %dma_start3A_5 = tpu.memref_slice %arg6[%dma_start3A_3, %dma_start3A_4] : memref<200x128xf32, #tpu.memory_space<vmem>> -> memref<100x128xf32, #tpu.memory_space<vmem>>
    %dma_start3A_6 = arith.constant 0 : i32
    %dma_start3A_7 = tpu.memref_slice %arg5[%dma_start3A, %dma_start3A_6] : memref<64x100xi32, #tpu.memory_space<vmem>> -> memref<1x100xi32, #tpu.memory_space<vmem>>
    %dma_start3A_8 = tpu.memref_squeeze %dma_start3A_7 : memref<1x100xi32, #tpu.memory_space<vmem>> -> memref<100xi32, #tpu.memory_space<vmem>>
    %dma_start3A_9 = arith.constant 0 : i32
    %dma_start3A_10 = arith.constant 0 : i32
    %dma_start3A_11 = tpu.memref_slice %arg2[%dma_start3A_9, %dma_start3A_10] : memref<100000x128xf32, #tpu.memory_space<hbm>> -> memref<100000x128xf32, #tpu.memory_space<hbm>>
    tpu.enqueue_indirect_dma source(%dma_start3A_11 : memref<100000x128xf32, #tpu.memory_space<hbm>>) target(%dma_start3A_5 : memref<100x128xf32, #tpu.memory_space<vmem>>) offsets(%dma_start3A_8 : memref<100xi32, #tpu.memory_space<vmem>>) semaphore(%arg9 : memref<!tpu.dma_semaphore, #tpu.memory_space<semaphore_mem>>)
    %dma_start3A_12 = arith.constant 1 : i32
    %dma_start3A_13 = arith.constant 100 : i32
    %dma_start3A_14 = arith.constant 0 : i32
    %dma_start3A_15 = tpu.memref_slice %arg6[%dma_start3A_13, %dma_start3A_14] : memref<200x128xf32, #tpu.memory_space<vmem>> -> memref<100x128xf32, #tpu.memory_space<vmem>>
    %dma_start3A_16 = arith.constant 0 : i32
    %dma_start3A_17 = tpu.memref_slice %arg5[%dma_start3A_12, %dma_start3A_16] : memref<64x100xi32, #tpu.memory_space<vmem>> -> memref<1x100xi32, #tpu.memory_space<vmem>>
    %dma_start3A_18 = tpu.memref_squeeze %dma_start3A_17 : memref<1x100xi32, #tpu.memory_space<vmem>> -> memref<100xi32, #tpu.memory_space<vmem>>
    %dma_start3A_19 = arith.constant 0 : i32
    %dma_start3A_20 = arith.constant 0 : i32
    %dma_start3A_21 = tpu.memref_slice %arg2[%dma_start3A_19, %dma_start3A_20] : memref<100000x128xf32, #tpu.memory_space<hbm>> -> memref<100000x128xf32, #tpu.memory_space<hbm>>
    tpu.enqueue_indirect_dma source(%dma_start3A_21 : memref<100000x128xf32, #tpu.memory_space<hbm>>) target(%dma_start3A_15 : memref<100x128xf32, #tpu.memory_space<vmem>>) offsets(%dma_start3A_18 : memref<100xi32, #tpu.memory_space<vmem>>) semaphore(%arg9 : memref<!tpu.dma_semaphore, #tpu.memory_space<semaphore_mem>>)
    %scan3A = arith.constant 0 : i32
    %scan3A_22 = arith.constant 0 : i32
    %scan3A_23 = arith.constant 16 : i32
    %scan3A_24 = arith.addi %scan3A_22, %scan3A_23 : i32
    %scan3A_25 = arith.constant 1 : i32
    scf.for %scan3A_29 = %scan3A_22 to %scan3A_24 step %scan3A_25  : i32 {
      %mul3A_30 = arith.constant 2 : i32
      %mul3A_31 = arith.muli %mul3A_30, %scan3A_29 : i32
      %add3A_32 = arith.constant 1 : i32
      %add3A_33 = arith.addi %mul3A_31, %add3A_32 : i32
      %mul3A_34 = arith.constant 2 : i32
      %mul3A_35 = arith.muli %mul3A_34, %add3A_33 : i32
      %dma_start3A_36 = arith.constant 0 : i32
      %dma_start3A_37 = arith.constant 0 : i32
      %dma_start3A_38 = tpu.memref_slice %arg7[%dma_start3A_36, %dma_start3A_37] : memref<200x128xf32, #tpu.memory_space<vmem>> -> memref<100x128xf32, #tpu.memory_space<vmem>>
      %dma_start3A_39 = arith.constant 0 : i32
      %dma_start3A_40 = tpu.memref_slice %arg5[%mul3A_35, %dma_start3A_39] : memref<64x100xi32, #tpu.memory_space<vmem>> -> memref<1x100xi32, #tpu.memory_space<vmem>>
      %dma_start3A_41 = tpu.memref_squeeze %dma_start3A_40 : memref<1x100xi32, #tpu.memory_space<vmem>> -> memref<100xi32, #tpu.memory_space<vmem>>
      %dma_start3A_42 = arith.constant 0 : i32
      %dma_start3A_43 = arith.constant 0 : i32
      %dma_start3A_44 = tpu.memref_slice %arg2[%dma_start3A_42, %dma_start3A_43] : memref<100000x128xf32, #tpu.memory_space<hbm>> -> memref<100000x128xf32, #tpu.memory_space<hbm>>
      tpu.enqueue_indirect_dma source(%dma_start3A_44 : memref<100000x128xf32, #tpu.memory_space<hbm>>) target(%dma_start3A_38 : memref<100x128xf32, #tpu.memory_space<vmem>>) offsets(%dma_start3A_41 : memref<100xi32, #tpu.memory_space<vmem>>) semaphore(%arg10 : memref<!tpu.dma_semaphore, #tpu.memory_space<semaphore_mem>>)
      %mul3A_45 = arith.constant 2 : i32
      %mul3A_46 = arith.muli %mul3A_45, %add3A_33 : i32
      %add3A_47 = arith.constant 1 : i32
      %add3A_48 = arith.addi %mul3A_46, %add3A_47 : i32
      %dma_start3A_49 = arith.constant 100 : i32
      %dma_start3A_50 = arith.constant 0 : i32
      %dma_start3A_51 = tpu.memref_slice %arg7[%dma_start3A_49, %dma_start3A_50] : memref<200x128xf32, #tpu.memory_space<vmem>> -> memref<100x128xf32, #tpu.memory_space<vmem>>
      %dma_start3A_52 = arith.constant 0 : i32
      %dma_start3A_53 = tpu.memref_slice %arg5[%add3A_48, %dma_start3A_52] : memref<64x100xi32, #tpu.memory_space<vmem>> -> memref<1x100xi32, #tpu.memory_space<vmem>>
      %dma_start3A_54 = tpu.memref_squeeze %dma_start3A_53 : memref<1x100xi32, #tpu.memory_space<vmem>> -> memref<100xi32, #tpu.memory_space<vmem>>
      %dma_start3A_55 = arith.constant 0 : i32
      %dma_start3A_56 = arith.constant 0 : i32
      %dma_start3A_57 = tpu.memref_slice %arg2[%dma_start3A_55, %dma_start3A_56] : memref<100000x128xf32, #tpu.memory_space<hbm>> -> memref<100000x128xf32, #tpu.memory_space<hbm>>
      tpu.enqueue_indirect_dma source(%dma_start3A_57 : memref<100000x128xf32, #tpu.memory_space<hbm>>) target(%dma_start3A_51 : memref<100x128xf32, #tpu.memory_space<vmem>>) offsets(%dma_start3A_54 : memref<100xi32, #tpu.memory_space<vmem>>) semaphore(%arg10 : memref<!tpu.dma_semaphore, #tpu.memory_space<semaphore_mem>>)
      %dma_wait3A = arith.constant 0 : i32
      %dma_wait3A_58 = arith.constant 0 : i32
      %dma_wait3A_59 = arith.constant 0 : i32
      %dma_wait3A_60 = tpu.memref_slice %arg6[%dma_wait3A_58, %dma_wait3A_59] : memref<200x128xf32, #tpu.memory_space<vmem>> -> memref<100x128xf32, #tpu.memory_space<vmem>>
      %dma_wait3A_61 = arith.constant 0 : i32
      %dma_wait3A_62 = tpu.memref_slice %arg5[%dma_wait3A, %dma_wait3A_61] : memref<64x100xi32, #tpu.memory_space<vmem>> -> memref<1x100xi32, #tpu.memory_space<vmem>>
      %dma_wait3A_63 = tpu.memref_squeeze %dma_wait3A_62 : memref<1x100xi32, #tpu.memory_space<vmem>> -> memref<100xi32, #tpu.memory_space<vmem>>
      %dma_wait3A_64 = arith.constant 0 : i32
      %dma_wait3A_65 = arith.constant 0 : i32
      %dma_wait3A_66 = tpu.memref_slice %arg2[%dma_wait3A_64, %dma_wait3A_65] : memref<100000x128xf32, #tpu.memory_space<hbm>> -> memref<100000x128xf32, #tpu.memory_space<hbm>>
      tpu.wait_indirect_dma semaphore(%arg9 : memref<!tpu.dma_semaphore, #tpu.memory_space<semaphore_mem>>) src(%dma_wait3A_66 : memref<100000x128xf32, #tpu.memory_space<hbm>>) dst(%dma_wait3A_60 : memref<100x128xf32, #tpu.memory_space<vmem>>)
      %dma_wait3A_67 = arith.constant 0 : i32
      %dma_wait3A_68 = arith.constant 100 : i32
      %dma_wait3A_69 = arith.constant 0 : i32
      %dma_wait3A_70 = tpu.memref_slice %arg6[%dma_wait3A_68, %dma_wait3A_69] : memref<200x128xf32, #tpu.memory_space<vmem>> -> memref<100x128xf32, #tpu.memory_space<vmem>>
      %dma_wait3A_71 = arith.constant 0 : i32
      %dma_wait3A_72 = tpu.memref_slice %arg5[%dma_wait3A_67, %dma_wait3A_71] : memref<64x100xi32, #tpu.memory_space<vmem>> -> memref<1x100xi32, #tpu.memory_space<vmem>>
      %dma_wait3A_73 = tpu.memref_squeeze %dma_wait3A_72 : memref<1x100xi32, #tpu.memory_space<vmem>> -> memref<100xi32, #tpu.memory_space<vmem>>
      %dma_wait3A_74 = arith.constant 0 : i32
      %dma_wait3A_75 = arith.constant 0 : i32
      %dma_wait3A_76 = tpu.memref_slice %arg2[%dma_wait3A_74, %dma_wait3A_75] : memref<100000x128xf32, #tpu.memory_space<hbm>> -> memref<100000x128xf32, #tpu.memory_space<hbm>>
      tpu.wait_indirect_dma semaphore(%arg9 : memref<!tpu.dma_semaphore, #tpu.memory_space<semaphore_mem>>) src(%dma_wait3A_76 : memref<100000x128xf32, #tpu.memory_space<hbm>>) dst(%dma_wait3A_70 : memref<100x128xf32, #tpu.memory_space<vmem>>)
      %mul3A_77 = arith.constant 2 : i32
      %mul3A_78 = arith.muli %mul3A_77, %scan3A_29 : i32
      %broadcast_in_dim3A = arith.constant 0xFF800000 : f32
      %broadcast_in_dim3A_79 = vector.broadcast %broadcast_in_dim3A : f32 to vector<16xf32>
      %broadcast_in_dim3A_80 = arith.constant 0xFF800000 : f32
      %broadcast_in_dim3A_81 = vector.broadcast %broadcast_in_dim3A_80 : f32 to vector<16xf32>
      %broadcast_in_dim3A_82 = arith.constant 0xFF800000 : f32
      %broadcast_in_dim3A_83 = vector.broadcast %broadcast_in_dim3A_82 : f32 to vector<16xf32>
      %broadcast_in_dim3A_84 = arith.constant 0xFF800000 : f32
      %broadcast_in_dim3A_85 = vector.broadcast %broadcast_in_dim3A_84 : f32 to vector<16xf32>
      %broadcast_in_dim3A_86 = arith.constant 0xFF800000 : f32
      %broadcast_in_dim3A_87 = vector.broadcast %broadcast_in_dim3A_86 : f32 to vector<16xf32>
      %broadcast_in_dim3A_88 = arith.constant 0xFF800000 : f32
      %broadcast_in_dim3A_89 = vector.broadcast %broadcast_in_dim3A_88 : f32 to vector<16xf32>
      %broadcast_in_dim3A_90 = arith.constant 0xFF800000 : f32
      %broadcast_in_dim3A_91 = vector.broadcast %broadcast_in_dim3A_90 : f32 to vector<16xf32>
      %broadcast_in_dim3A_92 = arith.constant 0xFF800000 : f32
      %broadcast_in_dim3A_93 = vector.broadcast %broadcast_in_dim3A_92 : f32 to vector<16xf32>
      %scan3A_94 = arith.constant 0 : i32
      %scan3A_95 = arith.constant 200 : i32
      %scan3A_96 = arith.addi %scan3A_94, %scan3A_95 : i32
      %scan3A_97 = arith.constant 8 : i32
      %scan3A_98:8 = scf.for %scan3A_227 = %scan3A_94 to %scan3A_96 step %scan3A_97 iter_args(%scan3A_228 = %broadcast_in_dim3A_79, %scan3A_229 = %broadcast_in_dim3A_81, %scan3A_230 = %broadcast_in_dim3A_83, %scan3A_231 = %broadcast_in_dim3A_85, %scan3A_232 = %broadcast_in_dim3A_87, %scan3A_233 = %broadcast_in_dim3A_89, %scan3A_234 = %broadcast_in_dim3A_91, %scan3A_235 = %broadcast_in_dim3A_93) -> (vector<16xf32>, vector<16xf32>, vector<16xf32>, vector<16xf32>, vector<16xf32>, vector<16xf32>, vector<16xf32>, vector<16xf32>)  : i32 {
        %get3A = arith.index_cast %scan3A_227 : i32 to index
        %get3A_236 = arith.constant 0 : index
        %get3A_237 = tpu.vector_load %arg6[%get3A, %get3A_236] {strides = array<i32>} : memref<200x128xf32, #tpu.memory_space<vmem>>, vector<1x16xf32>,
        %get3A_238 = vector.shape_cast %get3A_237 : vector<1x16xf32> to vector<16xf32>
        %max3A = arith.maximumf %scan3A_228, %get3A_238 : vector<16xf32>
        %get3A_239 = arith.index_cast %scan3A_227 : i32 to index
        %get3A_240 = arith.constant 16 : index
        %get3A_241 = tpu.vector_load %arg6[%get3A_239, %get3A_240] {strides = array<i32>} : memref<200x128xf32, #tpu.memory_space<vmem>>, vector<1x16xf32>,
        %get3A_242 = vector.shape_cast %get3A_241 : vector<1x16xf32> to vector<16xf32>
        %max3A_243 = arith.maximumf %scan3A_229, %get3A_242 : vector<16xf32>
        %get3A_244 = arith.index_cast %scan3A_227 : i32 to index
        %get3A_245 = arith.constant 32 : index
        %get3A_246 = tpu.vector_load %arg6[%get3A_244, %get3A_245] {strides = array<i32>} : memref<200x128xf32, #tpu.memory_space<vmem>>, vector<1x16xf32>,
        %get3A_247 = vector.shape_cast %get3A_246 : vector<1x16xf32> to vector<16xf32>
        %max3A_248 = arith.maximumf %scan3A_230, %get3A_247 : vector<16xf32>
        %get3A_249 = arith.index_cast %scan3A_227 : i32 to index
        %get3A_250 = arith.constant 48 : index
        %get3A_251 = tpu.vector_load %arg6[%get3A_249, %get3A_250] {strides = array<i32>} : memref<200x128xf32, #tpu.memory_space<vmem>>, vector<1x16xf32>,
        %get3A_252 = vector.shape_cast %get3A_251 : vector<1x16xf32> to vector<16xf32>
        %max3A_253 = arith.maximumf %scan3A_231, %get3A_252 : vector<16xf32>
        %get3A_254 = arith.index_cast %scan3A_227 : i32 to index
        %get3A_255 = arith.constant 64 : index
        %get3A_256 = tpu.vector_load %arg6[%get3A_254, %get3A_255] {strides = array<i32>} : memref<200x128xf32, #tpu.memory_space<vmem>>, vector<1x16xf32>,
        %get3A_257 = vector.shape_cast %get3A_256 : vector<1x16xf32> to vector<16xf32>
        %max3A_258 = arith.maximumf %scan3A_232, %get3A_257 : vector<16xf32>
        %get3A_259 = arith.index_cast %scan3A_227 : i32 to index
        %get3A_260 = arith.constant 80 : index
        %get3A_261 = tpu.vector_load %arg6[%get3A_259, %get3A_260] {strides = array<i32>} : memref<200x128xf32, #tpu.memory_space<vmem>>, vector<1x16xf32>,
        %get3A_262 = vector.shape_cast %get3A_261 : vector<1x16xf32> to vector<16xf32>
        %max3A_263 = arith.maximumf %scan3A_233, %get3A_262 : vector<16xf32>
        %get3A_264 = arith.index_cast %scan3A_227 : i32 to index
        %get3A_265 = arith.constant 96 : index
        %get3A_266 = tpu.vector_load %arg6[%get3A_264, %get3A_265] {strides = array<i32>} : memref<200x128xf32, #tpu.memory_space<vmem>>, vector<1x16xf32>,
        %get3A_267 = vector.shape_cast %get3A_266 : vector<1x16xf32> to vector<16xf32>
        %max3A_268 = arith.maximumf %scan3A_234, %get3A_267 : vector<16xf32>
        %get3A_269 = arith.index_cast %scan3A_227 : i32 to index
        %get3A_270 = arith.constant 112 : index
        %get3A_271 = tpu.vector_load %arg6[%get3A_269, %get3A_270] {strides = array<i32>} : memref<200x128xf32, #tpu.memory_space<vmem>>, vector<1x16xf32>,
        %get3A_272 = vector.shape_cast %get3A_271 : vector<1x16xf32> to vector<16xf32>
        %max3A_273 = arith.maximumf %scan3A_235, %get3A_272 : vector<16xf32>
        %scan3A_274 = arith.constant 1 : i32
        %scan3A_275 = arith.addi %scan3A_227, %scan3A_274 : i32
        %get3A_276 = arith.index_cast %scan3A_275 : i32 to index
        %get3A_277 = arith.constant 0 : index
        %get3A_278 = tpu.vector_load %arg6[%get3A_276, %get3A_277] {strides = array<i32>} : memref<200x128xf32, #tpu.memory_space<vmem>>, vector<1x16xf32>,
        %get3A_279 = vector.shape_cast %get3A_278 : vector<1x16xf32> to vector<16xf32>
        %max3A_280 = arith.maximumf %max3A, %get3A_279 : vector<16xf32>
        %get3A_281 = arith.index_cast %scan3A_275 : i32 to index
        %get3A_282 = arith.constant 16 : index
        %get3A_283 = tpu.vector_load %arg6[%get3A_281, %get3A_282] {strides = array<i32>} : memref<200x128xf32, #tpu.memory_space<vmem>>, vector<1x16xf32>,
        %get3A_284 = vector.shape_cast %get3A_283 : vector<1x16xf32> to vector<16xf32>
        %max3A_285 = arith.maximumf %max3A_243, %get3A_284 : vector<16xf32>
        %get3A_286 = arith.index_cast %scan3A_275 : i32 to index
        %get3A_287 = arith.constant 32 : index
        %get3A_288 = tpu.vector_load %arg6[%get3A_286, %get3A_287] {strides = array<i32>} : memref<200x128xf32, #tpu.memory_space<vmem>>, vector<1x16xf32>,
        %get3A_289 = vector.shape_cast %get3A_288 : vector<1x16xf32> to vector<16xf32>
        %max3A_290 = arith.maximumf %max3A_248, %get3A_289 : vector<16xf32>
        %get3A_291 = arith.index_cast %scan3A_275 : i32 to index
        %get3A_292 = arith.constant 48 : index
        %get3A_293 = tpu.vector_load %arg6[%get3A_291, %get3A_292] {strides = array<i32>} : memref<200x128xf32, #tpu.memory_space<vmem>>, vector<1x16xf32>,
        %get3A_294 = vector.shape_cast %get3A_293 : vector<1x16xf32> to vector<16xf32>
        %max3A_295 = arith.maximumf %max3A_253, %get3A_294 : vector<16xf32>
        %get3A_296 = arith.index_cast %scan3A_275 : i32 to index
        %get3A_297 = arith.constant 64 : index
        %get3A_298 = tpu.vector_load %arg6[%get3A_296, %get3A_297] {strides = array<i32>} : memref<200x128xf32, #tpu.memory_space<vmem>>, vector<1x16xf32>,
        %get3A_299 = vector.shape_cast %get3A_298 : vector<1x16xf32> to vector<16xf32>
        %max3A_300 = arith.maximumf %max3A_258, %get3A_299 : vector<16xf32>
        %get3A_301 = arith.index_cast %scan3A_275 : i32 to index
        %get3A_302 = arith.constant 80 : index
        %get3A_303 = tpu.vector_load %arg6[%get3A_301, %get3A_302] {strides = array<i32>} : memref<200x128xf32, #tpu.memory_space<vmem>>, vector<1x16xf32>,
        %get3A_304 = vector.shape_cast %get3A_303 : vector<1x16xf32> to vector<16xf32>
        %max3A_305 = arith.maximumf %max3A_263, %get3A_304 : vector<16xf32>
        %get3A_306 = arith.index_cast %scan3A_275 : i32 to index
        %get3A_307 = arith.constant 96 : index
        %get3A_308 = tpu.vector_load %arg6[%get3A_306, %get3A_307] {strides = array<i32>} : memref<200x128xf32, #tpu.memory_space<vmem>>, vector<1x16xf32>,
        %get3A_309 = vector.shape_cast %get3A_308 : vector<1x16xf32> to vector<16xf32>
        %max3A_310 = arith.maximumf %max3A_268, %get3A_309 : vector<16xf32>
        %get3A_311 = arith.index_cast %scan3A_275 : i32 to index
        %get3A_312 = arith.constant 112 : index
        %get3A_313 = tpu.vector_load %arg6[%get3A_311, %get3A_312] {strides = array<i32>} : memref<200x128xf32, #tpu.memory_space<vmem>>, vector<1x16xf32>,
        %get3A_314 = vector.shape_cast %get3A_313 : vector<1x16xf32> to vector<16xf32>
        %max3A_315 = arith.maximumf %max3A_273, %get3A_314 : vector<16xf32>
        %scan3A_316 = arith.constant 2 : i32
        %scan3A_317 = arith.addi %scan3A_227, %scan3A_316 : i32
        %get3A_318 = arith.index_cast %scan3A_317 : i32 to index
        %get3A_319 = arith.constant 0 : index
        %get3A_320 = tpu.vector_load %arg6[%get3A_318, %get3A_319] {strides = array<i32>} : memref<200x128xf32, #tpu.memory_space<vmem>>, vector<1x16xf32>,
        %get3A_321 = vector.shape_cast %get3A_320 : vector<1x16xf32> to vector<16xf32>
        %max3A_322 = arith.maximumf %max3A_280, %get3A_321 : vector<16xf32>
        %get3A_323 = arith.index_cast %scan3A_317 : i32 to index
        %get3A_324 = arith.constant 16 : index
        %get3A_325 = tpu.vector_load %arg6[%get3A_323, %get3A_324] {strides = array<i32>} : memref<200x128xf32, #tpu.memory_space<vmem>>, vector<1x16xf32>,
        %get3A_326 = vector.shape_cast %get3A_325 : vector<1x16xf32> to vector<16xf32>
        %max3A_327 = arith.maximumf %max3A_285, %get3A_326 : vector<16xf32>
        %get3A_328 = arith.index_cast %scan3A_317 : i32 to index
        %get3A_329 = arith.constant 32 : index
        %get3A_330 = tpu.vector_load %arg6[%get3A_328, %get3A_329] {strides = array<i32>} : memref<200x128xf32, #tpu.memory_space<vmem>>, vector<1x16xf32>,
        %get3A_331 = vector.shape_cast %get3A_330 : vector<1x16xf32> to vector<16xf32>
        %max3A_332 = arith.maximumf %max3A_290, %get3A_331 : vector<16xf32>
        %get3A_333 = arith.index_cast %scan3A_317 : i32 to index
        %get3A_334 = arith.constant 48 : index
        %get3A_335 = tpu.vector_load %arg6[%get3A_333, %get3A_334] {strides = array<i32>} : memref<200x128xf32, #tpu.memory_space<vmem>>, vector<1x16xf32>,
        %get3A_336 = vector.shape_cast %get3A_335 : vector<1x16xf32> to vector<16xf32>
        %max3A_337 = arith.maximumf %max3A_295, %get3A_336 : vector<16xf32>
        %get3A_338 = arith.index_cast %scan3A_317 : i32 to index
        %get3A_339 = arith.constant 64 : index
        %get3A_340 = tpu.vector_load %arg6[%get3A_338, %get3A_339] {strides = array<i32>} : memref<200x128xf32, #tpu.memory_space<vmem>>, vector<1x16xf32>,
        %get3A_341 = vector.shape_cast %get3A_340 : vector<1x16xf32> to vector<16xf32>
        %max3A_342 = arith.maximumf %max3A_300, %get3A_341 : vector<16xf32>
        %get3A_343 = arith.index_cast %scan3A_317 : i32 to index
        %get3A_344 = arith.constant 80 : index
        %get3A_345 = tpu.vector_load %arg6[%get3A_343, %get3A_344] {strides = array<i32>} : memref<200x128xf32, #tpu.memory_space<vmem>>, vector<1x16xf32>,
        %get3A_346 = vector.shape_cast %get3A_345 : vector<1x16xf32> to vector<16xf32>
        %max3A_347 = arith.maximumf %max3A_305, %get3A_346 : vector<16xf32>
        %get3A_348 = arith.index_cast %scan3A_317 : i32 to index
        %get3A_349 = arith.constant 96 : index
        %get3A_350 = tpu.vector_load %arg6[%get3A_348, %get3A_349] {strides = array<i32>} : memref<200x128xf32, #tpu.memory_space<vmem>>, vector<1x16xf32>,
        %get3A_351 = vector.shape_cast %get3A_350 : vector<1x16xf32> to vector<16xf32>
        %max3A_352 = arith.maximumf %max3A_310, %get3A_351 : vector<16xf32>
        %get3A_353 = arith.index_cast %scan3A_317 : i32 to index
        %get3A_354 = arith.constant 112 : index
        %get3A_355 = tpu.vector_load %arg6[%get3A_353, %get3A_354] {strides = array<i32>} : memref<200x128xf32, #tpu.memory_space<vmem>>, vector<1x16xf32>,
        %get3A_356 = vector.shape_cast %get3A_355 : vector<1x16xf32> to vector<16xf32>
        %max3A_357 = arith.maximumf %max3A_315, %get3A_356 : vector<16xf32>
        %scan3A_358 = arith.constant 3 : i32
        %scan3A_359 = arith.addi %scan3A_227, %scan3A_358 : i32
        %get3A_360 = arith.index_cast %scan3A_359 : i32 to index
        %get3A_361 = arith.constant 0 : index
        %get3A_362 = tpu.vector_load %arg6[%get3A_360, %get3A_361] {strides = array<i32>} : memref<200x128xf32, #tpu.memory_space<vmem>>, vector<1x16xf32>,
        %get3A_363 = vector.shape_cast %get3A_362 : vector<1x16xf32> to vector<16xf32>
        %max3A_364 = arith.maximumf %max3A_322, %get3A_363 : vector<16xf32>
        %get3A_365 = arith.index_cast %scan3A_359 : i32 to index
        %get3A_366 = arith.constant 16 : index
        %get3A_367 = tpu.vector_load %arg6[%get3A_365, %get3A_366] {strides = array<i32>} : memref<200x128xf32, #tpu.memory_space<vmem>>, vector<1x16xf32>,
        %get3A_368 = vector.shape_cast %get3A_367 : vector<1x16xf32> to vector<16xf32>
        %max3A_369 = arith.maximumf %max3A_327, %get3A_368 : vector<16xf32>
        %get3A_370 = arith.index_cast %scan3A_359 : i32 to index
        %get3A_371 = arith.constant 32 : index
        %get3A_372 = tpu.vector_load %arg6[%get3A_370, %get3A_371] {strides = array<i32>} : memref<200x128xf32, #tpu.memory_space<vmem>>, vector<1x16xf32>,
        %get3A_373 = vector.shape_cast %get3A_372 : vector<1x16xf32> to vector<16xf32>
        %max3A_374 = arith.maximumf %max3A_332, %get3A_373 : vector<16xf32>
        %get3A_375 = arith.index_cast %scan3A_359 : i32 to index
        %get3A_376 = arith.constant 48 : index
        %get3A_377 = tpu.vector_load %arg6[%get3A_375, %get3A_376] {strides = array<i32>} : memref<200x128xf32, #tpu.memory_space<vmem>>, vector<1x16xf32>,
        %get3A_378 = vector.shape_cast %get3A_377 : vector<1x16xf32> to vector<16xf32>
        %max3A_379 = arith.maximumf %max3A_337, %get3A_378 : vector<16xf32>
        %get3A_380 = arith.index_cast %scan3A_359 : i32 to index
        %get3A_381 = arith.constant 64 : index
        %get3A_382 = tpu.vector_load %arg6[%get3A_380, %get3A_381] {strides = array<i32>} : memref<200x128xf32, #tpu.memory_space<vmem>>, vector<1x16xf32>,
        %get3A_383 = vector.shape_cast %get3A_382 : vector<1x16xf32> to vector<16xf32>
        %max3A_384 = arith.maximumf %max3A_342, %get3A_383 : vector<16xf32>
        %get3A_385 = arith.index_cast %scan3A_359 : i32 to index
        %get3A_386 = arith.constant 80 : index
        %get3A_387 = tpu.vector_load %arg6[%get3A_385, %get3A_386] {strides = array<i32>} : memref<200x128xf32, #tpu.memory_space<vmem>>, vector<1x16xf32>,
        %get3A_388 = vector.shape_cast %get3A_387 : vector<1x16xf32> to vector<16xf32>
        %max3A_389 = arith.maximumf %max3A_347, %get3A_388 : vector<16xf32>
        %get3A_390 = arith.index_cast %scan3A_359 : i32 to index
        %get3A_391 = arith.constant 96 : index
        %get3A_392 = tpu.vector_load %arg6[%get3A_390, %get3A_391] {strides = array<i32>} : memref<200x128xf32, #tpu.memory_space<vmem>>, vector<1x16xf32>,
        %get3A_393 = vector.shape_cast %get3A_392 : vector<1x16xf32> to vector<16xf32>
        %max3A_394 = arith.maximumf %max3A_352, %get3A_393 : vector<16xf32>
        %get3A_395 = arith.index_cast %scan3A_359 : i32 to index
        %get3A_396 = arith.constant 112 : index
        %get3A_397 = tpu.vector_load %arg6[%get3A_395, %get3A_396] {strides = array<i32>} : memref<200x128xf32, #tpu.memory_space<vmem>>, vector<1x16xf32>,
        %get3A_398 = vector.shape_cast %get3A_397 : vector<1x16xf32> to vector<16xf32>
        %max3A_399 = arith.maximumf %max3A_357, %get3A_398 : vector<16xf32>
        %scan3A_400 = arith.constant 4 : i32
        %scan3A_401 = arith.addi %scan3A_227, %scan3A_400 : i32
        %get3A_402 = arith.index_cast %scan3A_401 : i32 to index
        %get3A_403 = arith.constant 0 : index
        %get3A_404 = tpu.vector_load %arg6[%get3A_402, %get3A_403] {strides = array<i32>} : memref<200x128xf32, #tpu.memory_space<vmem>>, vector<1x16xf32>,
        %get3A_405 = vector.shape_cast %get3A_404 : vector<1x16xf32> to vector<16xf32>
        %max3A_406 = arith.maximumf %max3A_364, %get3A_405 : vector<16xf32>
        %get3A_407 = arith.index_cast %scan3A_401 : i32 to index
        %get3A_408 = arith.constant 16 : index
        %get3A_409 = tpu.vector_load %arg6[%get3A_407, %get3A_408] {strides = array<i32>} : memref<200x128xf32, #tpu.memory_space<vmem>>, vector<1x16xf32>,
        %get3A_410 = vector.shape_cast %get3A_409 : vector<1x16xf32> to vector<16xf32>
        %max3A_411 = arith.maximumf %max3A_369, %get3A_410 : vector<16xf32>
        %get3A_412 = arith.index_cast %scan3A_401 : i32 to index
        %get3A_413 = arith.constant 32 : index
        %get3A_414 = tpu.vector_load %arg6[%get3A_412, %get3A_413] {strides = array<i32>} : memref<200x128xf32, #tpu.memory_space<vmem>>, vector<1x16xf32>,
        %get3A_415 = vector.shape_cast %get3A_414 : vector<1x16xf32> to vector<16xf32>
        %max3A_416 = arith.maximumf %max3A_374, %get3A_415 : vector<16xf32>
        %get3A_417 = arith.index_cast %scan3A_401 : i32 to index
        %get3A_418 = arith.constant 48 : index
        %get3A_419 = tpu.vector_load %arg6[%get3A_417, %get3A_418] {strides = array<i32>} : memref<200x128xf32, #tpu.memory_space<vmem>>, vector<1x16xf32>,
        %get3A_420 = vector.shape_cast %get3A_419 : vector<1x16xf32> to vector<16xf32>
        %max3A_421 = arith.maximumf %max3A_379, %get3A_420 : vector<16xf32>
        %get3A_422 = arith.index_cast %scan3A_401 : i32 to index
        %get3A_423 = arith.constant 64 : index
        %get3A_424 = tpu.vector_load %arg6[%get3A_422, %get3A_423] {strides = array<i32>} : memref<200x128xf32, #tpu.memory_space<vmem>>, vector<1x16xf32>,
        %get3A_425 = vector.shape_cast %get3A_424 : vector<1x16xf32> to vector<16xf32>
        %max3A_426 = arith.maximumf %max3A_384, %get3A_425 : vector<16xf32>
        %get3A_427 = arith.index_cast %scan3A_401 : i32 to index
        %get3A_428 = arith.constant 80 : index
        %get3A_429 = tpu.vector_load %arg6[%get3A_427, %get3A_428] {strides = array<i32>} : memref<200x128xf32, #tpu.memory_space<vmem>>, vector<1x16xf32>,
        %get3A_430 = vector.shape_cast %get3A_429 : vector<1x16xf32> to vector<16xf32>
        %max3A_431 = arith.maximumf %max3A_389, %get3A_430 : vector<16xf32>
        %get3A_432 = arith.index_cast %scan3A_401 : i32 to index
        %get3A_433 = arith.constant 96 : index
        %get3A_434 = tpu.vector_load %arg6[%get3A_432, %get3A_433] {strides = array<i32>} : memref<200x128xf32, #tpu.memory_space<vmem>>, vector<1x16xf32>,
        %get3A_435 = vector.shape_cast %get3A_434 : vector<1x16xf32> to vector<16xf32>
        %max3A_436 = arith.maximumf %max3A_394, %get3A_435 : vector<16xf32>
        %get3A_437 = arith.index_cast %scan3A_401 : i32 to index
        %get3A_438 = arith.constant 112 : index
        %get3A_439 = tpu.vector_load %arg6[%get3A_437, %get3A_438] {strides = array<i32>} : memref<200x128xf32, #tpu.memory_space<vmem>>, vector<1x16xf32>,
        %get3A_440 = vector.shape_cast %get3A_439 : vector<1x16xf32> to vector<16xf32>
        %max3A_441 = arith.maximumf %max3A_399, %get3A_440 : vector<16xf32>
        %scan3A_442 = arith.constant 5 : i32
        %scan3A_443 = arith.addi %scan3A_227, %scan3A_442 : i32
        %get3A_444 = arith.index_cast %scan3A_443 : i32 to index
        %get3A_445 = arith.constant 0 : index
        %get3A_446 = tpu.vector_load %arg6[%get3A_444, %get3A_445] {strides = array<i32>} : memref<200x128xf32, #tpu.memory_space<vmem>>, vector<1x16xf32>,
        %get3A_447 = vector.shape_cast %get3A_446 : vector<1x16xf32> to vector<16xf32>
        %max3A_448 = arith.maximumf %max3A_406, %get3A_447 : vector<16xf32>
        %get3A_449 = arith.index_cast %scan3A_443 : i32 to index
        %get3A_450 = arith.constant 16 : index
        %get3A_451 = tpu.vector_load %arg6[%get3A_449, %get3A_450] {strides = array<i32>} : memref<200x128xf32, #tpu.memory_space<vmem>>, vector<1x16xf32>,
        %get3A_452 = vector.shape_cast %get3A_451 : vector<1x16xf32> to vector<16xf32>
        %max3A_453 = arith.maximumf %max3A_411, %get3A_452 : vector<16xf32>
        %get3A_454 = arith.index_cast %scan3A_443 : i32 to index
        %get3A_455 = arith.constant 32 : index
        %get3A_456 = tpu.vector_load %arg6[%get3A_454, %get3A_455] {strides = array<i32>} : memref<200x128xf32, #tpu.memory_space<vmem>>, vector<1x16xf32>,
        %get3A_457 = vector.shape_cast %get3A_456 : vector<1x16xf32> to vector<16xf32>
        %max3A_458 = arith.maximumf %max3A_416, %get3A_457 : vector<16xf32>
        %get3A_459 = arith.index_cast %scan3A_443 : i32 to index
        %get3A_460 = arith.constant 48 : index
        %get3A_461 = tpu.vector_load %arg6[%get3A_459, %get3A_460] {strides = array<i32>} : memref<200x128xf32, #tpu.memory_space<vmem>>, vector<1x16xf32>,
        %get3A_462 = vector.shape_cast %get3A_461 : vector<1x16xf32> to vector<16xf32>
        %max3A_463 = arith.maximumf %max3A_421, %get3A_462 : vector<16xf32>
        %get3A_464 = arith.index_cast %scan3A_443 : i32 to index
        %get3A_465 = arith.constant 64 : index
        %get3A_466 = tpu.vector_load %arg6[%get3A_464, %get3A_465] {strides = array<i32>} : memref<200x128xf32, #tpu.memory_space<vmem>>, vector<1x16xf32>,
        %get3A_467 = vector.shape_cast %get3A_466 : vector<1x16xf32> to vector<16xf32>
        %max3A_468 = arith.maximumf %max3A_426, %get3A_467 : vector<16xf32>
        %get3A_469 = arith.index_cast %scan3A_443 : i32 to index
        %get3A_470 = arith.constant 80 : index
        %get3A_471 = tpu.vector_load %arg6[%get3A_469, %get3A_470] {strides = array<i32>} : memref<200x128xf32, #tpu.memory_space<vmem>>, vector<1x16xf32>,
        %get3A_472 = vector.shape_cast %get3A_471 : vector<1x16xf32> to vector<16xf32>
        %max3A_473 = arith.maximumf %max3A_431, %get3A_472 : vector<16xf32>
        %get3A_474 = arith.index_cast %scan3A_443 : i32 to index
        %get3A_475 = arith.constant 96 : index
        %get3A_476 = tpu.vector_load %arg6[%get3A_474, %get3A_475] {strides = array<i32>} : memref<200x128xf32, #tpu.memory_space<vmem>>, vector<1x16xf32>,
        %get3A_477 = vector.shape_cast %get3A_476 : vector<1x16xf32> to vector<16xf32>
        %max3A_478 = arith.maximumf %max3A_436, %get3A_477 : vector<16xf32>
        %get3A_479 = arith.index_cast %scan3A_443 : i32 to index
        %get3A_480 = arith.constant 112 : index
        %get3A_481 = tpu.vector_load %arg6[%get3A_479, %get3A_480] {strides = array<i32>} : memref<200x128xf32, #tpu.memory_space<vmem>>, vector<1x16xf32>,
        %get3A_482 = vector.shape_cast %get3A_481 : vector<1x16xf32> to vector<16xf32>
        %max3A_483 = arith.maximumf %max3A_441, %get3A_482 : vector<16xf32>
        %scan3A_484 = arith.constant 6 : i32
        %scan3A_485 = arith.addi %scan3A_227, %scan3A_484 : i32
        %get3A_486 = arith.index_cast %scan3A_485 : i32 to index
        %get3A_487 = arith.constant 0 : index
        %get3A_488 = tpu.vector_load %arg6[%get3A_486, %get3A_487] {strides = array<i32>} : memref<200x128xf32, #tpu.memory_space<vmem>>, vector<1x16xf32>,
        %get3A_489 = vector.shape_cast %get3A_488 : vector<1x16xf32> to vector<16xf32>
        %max3A_490 = arith.maximumf %max3A_448, %get3A_489 : vector<16xf32>
        %get3A_491 = arith.index_cast %scan3A_485 : i32 to index
        %get3A_492 = arith.constant 16 : index
        %get3A_493 = tpu.vector_load %arg6[%get3A_491, %get3A_492] {strides = array<i32>} : memref<200x128xf32, #tpu.memory_space<vmem>>, vector<1x16xf32>,
        %get3A_494 = vector.shape_cast %get3A_493 : vector<1x16xf32> to vector<16xf32>
        %max3A_495 = arith.maximumf %max3A_453, %get3A_494 : vector<16xf32>
        %get3A_496 = arith.index_cast %scan3A_485 : i32 to index
        %get3A_497 = arith.constant 32 : index
        %get3A_498 = tpu.vector_load %arg6[%get3A_496, %get3A_497] {strides = array<i32>} : memref<200x128xf32, #tpu.memory_space<vmem>>, vector<1x16xf32>,
        %get3A_499 = vector.shape_cast %get3A_498 : vector<1x16xf32> to vector<16xf32>
        %max3A_500 = arith.maximumf %max3A_458, %get3A_499 : vector<16xf32>
        %get3A_501 = arith.index_cast %scan3A_485 : i32 to index
        %get3A_502 = arith.constant 48 : index
        %get3A_503 = tpu.vector_load %arg6[%get3A_501, %get3A_502] {strides = array<i32>} : memref<200x128xf32, #tpu.memory_space<vmem>>, vector<1x16xf32>,
        %get3A_504 = vector.shape_cast %get3A_503 : vector<1x16xf32> to vector<16xf32>
        %max3A_505 = arith.maximumf %max3A_463, %get3A_504 : vector<16xf32>
        %get3A_506 = arith.index_cast %scan3A_485 : i32 to index
        %get3A_507 = arith.constant 64 : index
        %get3A_508 = tpu.vector_load %arg6[%get3A_506, %get3A_507] {strides = array<i32>} : memref<200x128xf32, #tpu.memory_space<vmem>>, vector<1x16xf32>,
        %get3A_509 = vector.shape_cast %get3A_508 : vector<1x16xf32> to vector<16xf32>
        %max3A_510 = arith.maximumf %max3A_468, %get3A_509 : vector<16xf32>
        %get3A_511 = arith.index_cast %scan3A_485 : i32 to index
        %get3A_512 = arith.constant 80 : index
        %get3A_513 = tpu.vector_load %arg6[%get3A_511, %get3A_512] {strides = array<i32>} : memref<200x128xf32, #tpu.memory_space<vmem>>, vector<1x16xf32>,
        %get3A_514 = vector.shape_cast %get3A_513 : vector<1x16xf32> to vector<16xf32>
        %max3A_515 = arith.maximumf %max3A_473, %get3A_514 : vector<16xf32>
        %get3A_516 = arith.index_cast %scan3A_485 : i32 to index
        %get3A_517 = arith.constant 96 : index
        %get3A_518 = tpu.vector_load %arg6[%get3A_516, %get3A_517] {strides = array<i32>} : memref<200x128xf32, #tpu.memory_space<vmem>>, vector<1x16xf32>,
        %get3A_519 = vector.shape_cast %get3A_518 : vector<1x16xf32> to vector<16xf32>
        %max3A_520 = arith.maximumf %max3A_478, %get3A_519 : vector<16xf32>
        %get3A_521 = arith.index_cast %scan3A_485 : i32 to index
        %get3A_522 = arith.constant 112 : index
        %get3A_523 = tpu.vector_load %arg6[%get3A_521, %get3A_522] {strides = array<i32>} : memref<200x128xf32, #tpu.memory_space<vmem>>, vector<1x16xf32>,
        %get3A_524 = vector.shape_cast %get3A_523 : vector<1x16xf32> to vector<16xf32>
        %max3A_525 = arith.maximumf %max3A_483, %get3A_524 : vector<16xf32>
        %scan3A_526 = arith.constant 7 : i32
        %scan3A_527 = arith.addi %scan3A_227, %scan3A_526 : i32
        %get3A_528 = arith.index_cast %scan3A_527 : i32 to index
        %get3A_529 = arith.constant 0 : index
        %get3A_530 = tpu.vector_load %arg6[%get3A_528, %get3A_529] {strides = array<i32>} : memref<200x128xf32, #tpu.memory_space<vmem>>, vector<1x16xf32>,
        %get3A_531 = vector.shape_cast %get3A_530 : vector<1x16xf32> to vector<16xf32>
        %max3A_532 = arith.maximumf %max3A_490, %get3A_531 : vector<16xf32>
        %get3A_533 = arith.index_cast %scan3A_527 : i32 to index
        %get3A_534 = arith.constant 16 : index
        %get3A_535 = tpu.vector_load %arg6[%get3A_533, %get3A_534] {strides = array<i32>} : memref<200x128xf32, #tpu.memory_space<vmem>>, vector<1x16xf32>,
        %get3A_536 = vector.shape_cast %get3A_535 : vector<1x16xf32> to vector<16xf32>
        %max3A_537 = arith.maximumf %max3A_495, %get3A_536 : vector<16xf32>
        %get3A_538 = arith.index_cast %scan3A_527 : i32 to index
        %get3A_539 = arith.constant 32 : index
        %get3A_540 = tpu.vector_load %arg6[%get3A_538, %get3A_539] {strides = array<i32>} : memref<200x128xf32, #tpu.memory_space<vmem>>, vector<1x16xf32>,
        %get3A_541 = vector.shape_cast %get3A_540 : vector<1x16xf32> to vector<16xf32>
        %max3A_542 = arith.maximumf %max3A_500, %get3A_541 : vector<16xf32>
        %get3A_543 = arith.index_cast %scan3A_527 : i32 to index
        %get3A_544 = arith.constant 48 : index
        %get3A_545 = tpu.vector_load %arg6[%get3A_543, %get3A_544] {strides = array<i32>} : memref<200x128xf32, #tpu.memory_space<vmem>>, vector<1x16xf32>,
        %get3A_546 = vector.shape_cast %get3A_545 : vector<1x16xf32> to vector<16xf32>
        %max3A_547 = arith.maximumf %max3A_505, %get3A_546 : vector<16xf32>
        %get3A_548 = arith.index_cast %scan3A_527 : i32 to index
        %get3A_549 = arith.constant 64 : index
        %get3A_550 = tpu.vector_load %arg6[%get3A_548, %get3A_549] {strides = array<i32>} : memref<200x128xf32, #tpu.memory_space<vmem>>, vector<1x16xf32>,
        %get3A_551 = vector.shape_cast %get3A_550 : vector<1x16xf32> to vector<16xf32>
        %max3A_552 = arith.maximumf %max3A_510, %get3A_551 : vector<16xf32>
        %get3A_553 = arith.index_cast %scan3A_527 : i32 to index
        %get3A_554 = arith.constant 80 : index
        %get3A_555 = tpu.vector_load %arg6[%get3A_553, %get3A_554] {strides = array<i32>} : memref<200x128xf32, #tpu.memory_space<vmem>>, vector<1x16xf32>,
        %get3A_556 = vector.shape_cast %get3A_555 : vector<1x16xf32> to vector<16xf32>
        %max3A_557 = arith.maximumf %max3A_515, %get3A_556 : vector<16xf32>
        %get3A_558 = arith.index_cast %scan3A_527 : i32 to index
        %get3A_559 = arith.constant 96 : index
        %get3A_560 = tpu.vector_load %arg6[%get3A_558, %get3A_559] {strides = array<i32>} : memref<200x128xf32, #tpu.memory_space<vmem>>, vector<1x16xf32>,
        %get3A_561 = vector.shape_cast %get3A_560 : vector<1x16xf32> to vector<16xf32>
        %max3A_562 = arith.maximumf %max3A_520, %get3A_561 : vector<16xf32>
        %get3A_563 = arith.index_cast %scan3A_527 : i32 to index
        %get3A_564 = arith.constant 112 : index
        %get3A_565 = tpu.vector_load %arg6[%get3A_563, %get3A_564] {strides = array<i32>} : memref<200x128xf32, #tpu.memory_space<vmem>>, vector<1x16xf32>,
        %get3A_566 = vector.shape_cast %get3A_565 : vector<1x16xf32> to vector<16xf32>
        %max3A_567 = arith.maximumf %max3A_525, %get3A_566 : vector<16xf32>
        scf.yield %max3A_532, %max3A_537, %max3A_542, %max3A_547, %max3A_552, %max3A_557, %max3A_562, %max3A_567 : vector<16xf32>, vector<16xf32>, vector<16xf32>, vector<16xf32>, vector<16xf32>, vector<16xf32>, vector<16xf32>, vector<16xf32>
      }
      %scan3A_99 = arith.constant 200 : i32
      %swap3A = arith.index_cast %mul3A_78 : i32 to index
      %swap3A_100 = arith.constant 0 : index
      %swap3A_101 = tpu.vector_load %arg8[%swap3A, %swap3A_100] {strides = array<i32>} : memref<32x128xf32, #tpu.memory_space<vmem>>, vector<1x16xf32>,
      %swap3A_102 = vector.shape_cast %swap3A_101 : vector<1x16xf32> to vector<16xf32>
      %swap3A_103 = vector.shape_cast %scan3A_98#0 : vector<16xf32> to vector<1x16xf32>
      tpu.vector_store %arg8[%swap3A, %swap3A_100], %swap3A_103 {strides = array<i32>} : memref<32x128xf32, #tpu.memory_space<vmem>>, vector<1x16xf32>,
      %swap3A_104 = arith.index_cast %mul3A_78 : i32 to index
      %swap3A_105 = arith.constant 16 : index
      %swap3A_106 = tpu.vector_load %arg8[%swap3A_104, %swap3A_105] {strides = array<i32>} : memref<32x128xf32, #tpu.memory_space<vmem>>, vector<1x16xf32>,
      %swap3A_107 = vector.shape_cast %swap3A_106 : vector<1x16xf32> to vector<16xf32>
      %swap3A_108 = vector.shape_cast %scan3A_98#1 : vector<16xf32> to vector<1x16xf32>
      tpu.vector_store %arg8[%swap3A_104, %swap3A_105], %swap3A_108 {strides = array<i32>} : memref<32x128xf32, #tpu.memory_space<vmem>>, vector<1x16xf32>,
      %swap3A_109 = arith.index_cast %mul3A_78 : i32 to index
      %swap3A_110 = arith.constant 32 : index
      %swap3A_111 = tpu.vector_load %arg8[%swap3A_109, %swap3A_110] {strides = array<i32>} : memref<32x128xf32, #tpu.memory_space<vmem>>, vector<1x16xf32>,
      %swap3A_112 = vector.shape_cast %swap3A_111 : vector<1x16xf32> to vector<16xf32>
      %swap3A_113 = vector.shape_cast %scan3A_98#2 : vector<16xf32> to vector<1x16xf32>
      tpu.vector_store %arg8[%swap3A_109, %swap3A_110], %swap3A_113 {strides = array<i32>} : memref<32x128xf32, #tpu.memory_space<vmem>>, vector<1x16xf32>,
      %swap3A_114 = arith.index_cast %mul3A_78 : i32 to index
      %swap3A_115 = arith.constant 48 : index
      %swap3A_116 = tpu.vector_load %arg8[%swap3A_114, %swap3A_115] {strides = array<i32>} : memref<32x128xf32, #tpu.memory_space<vmem>>, vector<1x16xf32>,
      %swap3A_117 = vector.shape_cast %swap3A_116 : vector<1x16xf32> to vector<16xf32>
      %swap3A_118 = vector.shape_cast %scan3A_98#3 : vector<16xf32> to vector<1x16xf32>
      tpu.vector_store %arg8[%swap3A_114, %swap3A_115], %swap3A_118 {strides = array<i32>} : memref<32x128xf32, #tpu.memory_space<vmem>>, vector<1x16xf32>,
      %swap3A_119 = arith.index_cast %mul3A_78 : i32 to index
      %swap3A_120 = arith.constant 64 : index
      %swap3A_121 = tpu.vector_load %arg8[%swap3A_119, %swap3A_120] {strides = array<i32>} : memref<32x128xf32, #tpu.memory_space<vmem>>, vector<1x16xf32>,
      %swap3A_122 = vector.shape_cast %swap3A_121 : vector<1x16xf32> to vector<16xf32>
      %swap3A_123 = vector.shape_cast %scan3A_98#4 : vector<16xf32> to vector<1x16xf32>
      tpu.vector_store %arg8[%swap3A_119, %swap3A_120], %swap3A_123 {strides = array<i32>} : memref<32x128xf32, #tpu.memory_space<vmem>>, vector<1x16xf32>,
      %swap3A_124 = arith.index_cast %mul3A_78 : i32 to index
      %swap3A_125 = arith.constant 80 : index
      %swap3A_126 = tpu.vector_load %arg8[%swap3A_124, %swap3A_125] {strides = array<i32>} : memref<32x128xf32, #tpu.memory_space<vmem>>, vector<1x16xf32>,
      %swap3A_127 = vector.shape_cast %swap3A_126 : vector<1x16xf32> to vector<16xf32>
      %swap3A_128 = vector.shape_cast %scan3A_98#5 : vector<16xf32> to vector<1x16xf32>
      tpu.vector_store %arg8[%swap3A_124, %swap3A_125], %swap3A_128 {strides = array<i32>} : memref<32x128xf32, #tpu.memory_space<vmem>>, vector<1x16xf32>,
      %swap3A_129 = arith.index_cast %mul3A_78 : i32 to index
      %swap3A_130 = arith.constant 96 : index
      %swap3A_131 = tpu.vector_load %arg8[%swap3A_129, %swap3A_130] {strides = array<i32>} : memref<32x128xf32, #tpu.memory_space<vmem>>, vector<1x16xf32>,
      %swap3A_132 = vector.shape_cast %swap3A_131 : vector<1x16xf32> to vector<16xf32>
      %swap3A_133 = vector.shape_cast %scan3A_98#6 : vector<16xf32> to vector<1x16xf32>
      tpu.vector_store %arg8[%swap3A_129, %swap3A_130], %swap3A_133 {strides = array<i32>} : memref<32x128xf32, #tpu.memory_space<vmem>>, vector<1x16xf32>,
      %swap3A_134 = arith.index_cast %mul3A_78 : i32 to index
      %swap3A_135 = arith.constant 112 : index
      %swap3A_136 = tpu.vector_load %arg8[%swap3A_134, %swap3A_135] {strides = array<i32>} : memref<32x128xf32, #tpu.memory_space<vmem>>, vector<1x16xf32>,
      %swap3A_137 = vector.shape_cast %swap3A_136 : vector<1x16xf32> to vector<16xf32>
      %swap3A_138 = vector.shape_cast %scan3A_98#7 : vector<16xf32> to vector<1x16xf32>
      tpu.vector_store %arg8[%swap3A_134, %swap3A_135], %swap3A_138 {strides = array<i32>} : memref<32x128xf32, #tpu.memory_space<vmem>>, vector<1x16xf32>,
      %lt3A = arith.constant 15 : i32
      %lt3A_139 = arith.cmpi slt, %scan3A_29, %lt3A : i32
      %convert_element_type3A = arith.extui %lt3A_139 : i1 to i32
      %cond3A = arith.constant 0 : i32
      %cond3A_140 = arith.cmpi ne, %convert_element_type3A, %cond3A : i32
      scf.if %cond3A_140 {
        %mul3A_227 = arith.constant 2 : i32
        %mul3A_228 = arith.muli %mul3A_227, %scan3A_29 : i32
        %add3A_229 = arith.constant 2 : i32
        %add3A_230 = arith.addi %mul3A_228, %add3A_229 : i32
        %mul3A_231 = arith.constant 2 : i32
        %mul3A_232 = arith.muli %mul3A_231, %add3A_230 : i32
        %dma_start3A_233 = arith.constant 0 : i32
        %dma_start3A_234 = arith.constant 0 : i32
        %dma_start3A_235 = tpu.memref_slice %arg6[%dma_start3A_233, %dma_start3A_234] : memref<200x128xf32, #tpu.memory_space<vmem>> -> memref<100x128xf32, #tpu.memory_space<vmem>>
        %dma_start3A_236 = arith.constant 0 : i32
        %dma_start3A_237 = tpu.memref_slice %arg5[%mul3A_232, %dma_start3A_236] : memref<64x100xi32, #tpu.memory_space<vmem>> -> memref<1x100xi32, #tpu.memory_space<vmem>>
        %dma_start3A_238 = tpu.memref_squeeze %dma_start3A_237 : memref<1x100xi32, #tpu.memory_space<vmem>> -> memref<100xi32, #tpu.memory_space<vmem>>
        %dma_start3A_239 = arith.constant 0 : i32
        %dma_start3A_240 = arith.constant 0 : i32
        %dma_start3A_241 = tpu.memref_slice %arg2[%dma_start3A_239, %dma_start3A_240] : memref<100000x128xf32, #tpu.memory_space<hbm>> -> memref<100000x128xf32, #tpu.memory_space<hbm>>
        tpu.enqueue_indirect_dma source(%dma_start3A_241 : memref<100000x128xf32, #tpu.memory_space<hbm>>) target(%dma_start3A_235 : memref<100x128xf32, #tpu.memory_space<vmem>>) offsets(%dma_start3A_238 : memref<100xi32, #tpu.memory_space<vmem>>) semaphore(%arg9 : memref<!tpu.dma_semaphore, #tpu.memory_space<semaphore_mem>>)
        %mul3A_242 = arith.constant 2 : i32
        %mul3A_243 = arith.muli %mul3A_242, %add3A_230 : i32
        %add3A_244 = arith.constant 1 : i32
        %add3A_245 = arith.addi %mul3A_243, %add3A_244 : i32
        %dma_start3A_246 = arith.constant 100 : i32
        %dma_start3A_247 = arith.constant 0 : i32
        %dma_start3A_248 = tpu.memref_slice %arg6[%dma_start3A_246, %dma_start3A_247] : memref<200x128xf32, #tpu.memory_space<vmem>> -> memref<100x128xf32, #tpu.memory_space<vmem>>
        %dma_start3A_249 = arith.constant 0 : i32
        %dma_start3A_250 = tpu.memref_slice %arg5[%add3A_245, %dma_start3A_249] : memref<64x100xi32, #tpu.memory_space<vmem>> -> memref<1x100xi32, #tpu.memory_space<vmem>>
        %dma_start3A_251 = tpu.memref_squeeze %dma_start3A_250 : memref<1x100xi32, #tpu.memory_space<vmem>> -> memref<100xi32, #tpu.memory_space<vmem>>
        %dma_start3A_252 = arith.constant 0 : i32
        %dma_start3A_253 = arith.constant 0 : i32
        %dma_start3A_254 = tpu.memref_slice %arg2[%dma_start3A_252, %dma_start3A_253] : memref<100000x128xf32, #tpu.memory_space<hbm>> -> memref<100000x128xf32, #tpu.memory_space<hbm>>
        tpu.enqueue_indirect_dma source(%dma_start3A_254 : memref<100000x128xf32, #tpu.memory_space<hbm>>) target(%dma_start3A_248 : memref<100x128xf32, #tpu.memory_space<vmem>>) offsets(%dma_start3A_251 : memref<100xi32, #tpu.memory_space<vmem>>) semaphore(%arg9 : memref<!tpu.dma_semaphore, #tpu.memory_space<semaphore_mem>>)
      } else {
      }
      %dma_wait3A_141 = arith.constant 0 : i32
      %dma_wait3A_142 = arith.constant 0 : i32
      %dma_wait3A_143 = arith.constant 0 : i32
      %dma_wait3A_144 = tpu.memref_slice %arg7[%dma_wait3A_142, %dma_wait3A_143] : memref<200x128xf32, #tpu.memory_space<vmem>> -> memref<100x128xf32, #tpu.memory_space<vmem>>
      %dma_wait3A_145 = arith.constant 0 : i32
      %dma_wait3A_146 = tpu.memref_slice %arg5[%dma_wait3A_141, %dma_wait3A_145] : memref<64x100xi32, #tpu.memory_space<vmem>> -> memref<1x100xi32, #tpu.memory_space<vmem>>
      %dma_wait3A_147 = tpu.memref_squeeze %dma_wait3A_146 : memref<1x100xi32, #tpu.memory_space<vmem>> -> memref<100xi32, #tpu.memory_space<vmem>>
      %dma_wait3A_148 = arith.constant 0 : i32
      %dma_wait3A_149 = arith.constant 0 : i32
      %dma_wait3A_150 = tpu.memref_slice %arg2[%dma_wait3A_148, %dma_wait3A_149] : memref<100000x128xf32, #tpu.memory_space<hbm>> -> memref<100000x128xf32, #tpu.memory_space<hbm>>
      tpu.wait_indirect_dma semaphore(%arg10 : memref<!tpu.dma_semaphore, #tpu.memory_space<semaphore_mem>>) src(%dma_wait3A_150 : memref<100000x128xf32, #tpu.memory_space<hbm>>) dst(%dma_wait3A_144 : memref<100x128xf32, #tpu.memory_space<vmem>>)
      %dma_wait3A_151 = arith.constant 0 : i32
      %dma_wait3A_152 = arith.constant 100 : i32
      %dma_wait3A_153 = arith.constant 0 : i32
      %dma_wait3A_154 = tpu.memref_slice %arg7[%dma_wait3A_152, %dma_wait3A_153] : memref<200x128xf32, #tpu.memory_space<vmem>> -> memref<100x128xf32, #tpu.memory_space<vmem>>
      %dma_wait3A_155 = arith.constant 0 : i32
      %dma_wait3A_156 = tpu.memref_slice %arg5[%dma_wait3A_151, %dma_wait3A_155] : memref<64x100xi32, #tpu.memory_space<vmem>> -> memref<1x100xi32, #tpu.memory_space<vmem>>
      %dma_wait3A_157 = tpu.memref_squeeze %dma_wait3A_156 : memref<1x100xi32, #tpu.memory_space<vmem>> -> memref<100xi32, #tpu.memory_space<vmem>>
      %dma_wait3A_158 = arith.constant 0 : i32
      %dma_wait3A_159 = arith.constant 0 : i32
      %dma_wait3A_160 = tpu.memref_slice %arg2[%dma_wait3A_158, %dma_wait3A_159] : memref<100000x128xf32, #tpu.memory_space<hbm>> -> memref<100000x128xf32, #tpu.memory_space<hbm>>
      tpu.wait_indirect_dma semaphore(%arg10 : memref<!tpu.dma_semaphore, #tpu.memory_space<semaphore_mem>>) src(%dma_wait3A_160 : memref<100000x128xf32, #tpu.memory_space<hbm>>) dst(%dma_wait3A_154 : memref<100x128xf32, #tpu.memory_space<vmem>>)
      %mul3A_161 = arith.constant 2 : i32
      %mul3A_162 = arith.muli %mul3A_161, %scan3A_29 : i32
      %add3A_163 = arith.constant 1 : i32
      %add3A_164 = arith.addi %mul3A_162, %add3A_163 : i32
      %broadcast_in_dim3A_165 = arith.constant 0xFF800000 : f32
      %broadcast_in_dim3A_166 = vector.broadcast %broadcast_in_dim3A_165 : f32 to vector<16xf32>
      %broadcast_in_dim3A_167 = arith.constant 0xFF800000 : f32
      %broadcast_in_dim3A_168 = vector.broadcast %broadcast_in_dim3A_167 : f32 to vector<16xf32>
      %broadcast_in_dim3A_169 = arith.constant 0xFF800000 : f32
      %broadcast_in_dim3A_170 = vector.broadcast %broadcast_in_dim3A_169 : f32 to vector<16xf32>
      %broadcast_in_dim3A_171 = arith.constant 0xFF800000 : f32
      %broadcast_in_dim3A_172 = vector.broadcast %broadcast_in_dim3A_171 : f32 to vector<16xf32>
      %broadcast_in_dim3A_173 = arith.constant 0xFF800000 : f32
      %broadcast_in_dim3A_174 = vector.broadcast %broadcast_in_dim3A_173 : f32 to vector<16xf32>
      %broadcast_in_dim3A_175 = arith.constant 0xFF800000 : f32
      %broadcast_in_dim3A_176 = vector.broadcast %broadcast_in_dim3A_175 : f32 to vector<16xf32>
      %broadcast_in_dim3A_177 = arith.constant 0xFF800000 : f32
      %broadcast_in_dim3A_178 = vector.broadcast %broadcast_in_dim3A_177 : f32 to vector<16xf32>
      %broadcast_in_dim3A_179 = arith.constant 0xFF800000 : f32
      %broadcast_in_dim3A_180 = vector.broadcast %broadcast_in_dim3A_179 : f32 to vector<16xf32>
      %scan3A_181 = arith.constant 0 : i32
      %scan3A_182 = arith.constant 200 : i32
      %scan3A_183 = arith.addi %scan3A_181, %scan3A_182 : i32
      %scan3A_184 = arith.constant 8 : i32
      %scan3A_185:8 = scf.for %scan3A_227 = %scan3A_181 to %scan3A_183 step %scan3A_184 iter_args(%scan3A_228 = %broadcast_in_dim3A_166, %scan3A_229 = %broadcast_in_dim3A_168, %scan3A_230 = %broadcast_in_dim3A_170, %scan3A_231 = %broadcast_in_dim3A_172, %scan3A_232 = %broadcast_in_dim3A_174, %scan3A_233 = %broadcast_in_dim3A_176, %scan3A_234 = %broadcast_in_dim3A_178, %scan3A_235 = %broadcast_in_dim3A_180) -> (vector<16xf32>, vector<16xf32>, vector<16xf32>, vector<16xf32>, vector<16xf32>, vector<16xf32>, vector<16xf32>, vector<16xf32>)  : i32 {
        %get3A = arith.index_cast %scan3A_227 : i32 to index
        %get3A_236 = arith.constant 0 : index
        %get3A_237 = tpu.vector_load %arg7[%get3A, %get3A_236] {strides = array<i32>} : memref<200x128xf32, #tpu.memory_space<vmem>>, vector<1x16xf32>,
        %get3A_238 = vector.shape_cast %get3A_237 : vector<1x16xf32> to vector<16xf32>
        %max3A = arith.maximumf %scan3A_228, %get3A_238 : vector<16xf32>
        %get3A_239 = arith.index_cast %scan3A_227 : i32 to index
        %get3A_240 = arith.constant 16 : index
        %get3A_241 = tpu.vector_load %arg7[%get3A_239, %get3A_240] {strides = array<i32>} : memref<200x128xf32, #tpu.memory_space<vmem>>, vector<1x16xf32>,
        %get3A_242 = vector.shape_cast %get3A_241 : vector<1x16xf32> to vector<16xf32>
        %max3A_243 = arith.maximumf %scan3A_229, %get3A_242 : vector<16xf32>
        %get3A_244 = arith.index_cast %scan3A_227 : i32 to index
        %get3A_245 = arith.constant 32 : index
        %get3A_246 = tpu.vector_load %arg7[%get3A_244, %get3A_245] {strides = array<i32>} : memref<200x128xf32, #tpu.memory_space<vmem>>, vector<1x16xf32>,
        %get3A_247 = vector.shape_cast %get3A_246 : vector<1x16xf32> to vector<16xf32>
        %max3A_248 = arith.maximumf %scan3A_230, %get3A_247 : vector<16xf32>
        %get3A_249 = arith.index_cast %scan3A_227 : i32 to index
        %get3A_250 = arith.constant 48 : index
        %get3A_251 = tpu.vector_load %arg7[%get3A_249, %get3A_250] {strides = array<i32>} : memref<200x128xf32, #tpu.memory_space<vmem>>, vector<1x16xf32>,
        %get3A_252 = vector.shape_cast %get3A_251 : vector<1x16xf32> to vector<16xf32>
        %max3A_253 = arith.maximumf %scan3A_231, %get3A_252 : vector<16xf32>
        %get3A_254 = arith.index_cast %scan3A_227 : i32 to index
        %get3A_255 = arith.constant 64 : index
        %get3A_256 = tpu.vector_load %arg7[%get3A_254, %get3A_255] {strides = array<i32>} : memref<200x128xf32, #tpu.memory_space<vmem>>, vector<1x16xf32>,
        %get3A_257 = vector.shape_cast %get3A_256 : vector<1x16xf32> to vector<16xf32>
        %max3A_258 = arith.maximumf %scan3A_232, %get3A_257 : vector<16xf32>
        %get3A_259 = arith.index_cast %scan3A_227 : i32 to index
        %get3A_260 = arith.constant 80 : index
        %get3A_261 = tpu.vector_load %arg7[%get3A_259, %get3A_260] {strides = array<i32>} : memref<200x128xf32, #tpu.memory_space<vmem>>, vector<1x16xf32>,
        %get3A_262 = vector.shape_cast %get3A_261 : vector<1x16xf32> to vector<16xf32>
        %max3A_263 = arith.maximumf %scan3A_233, %get3A_262 : vector<16xf32>
        %get3A_264 = arith.index_cast %scan3A_227 : i32 to index
        %get3A_265 = arith.constant 96 : index
        %get3A_266 = tpu.vector_load %arg7[%get3A_264, %get3A_265] {strides = array<i32>} : memref<200x128xf32, #tpu.memory_space<vmem>>, vector<1x16xf32>,
        %get3A_267 = vector.shape_cast %get3A_266 : vector<1x16xf32> to vector<16xf32>
        %max3A_268 = arith.maximumf %scan3A_234, %get3A_267 : vector<16xf32>
        %get3A_269 = arith.index_cast %scan3A_227 : i32 to index
        %get3A_270 = arith.constant 112 : index
        %get3A_271 = tpu.vector_load %arg7[%get3A_269, %get3A_270] {strides = array<i32>} : memref<200x128xf32, #tpu.memory_space<vmem>>, vector<1x16xf32>,
        %get3A_272 = vector.shape_cast %get3A_271 : vector<1x16xf32> to vector<16xf32>
        %max3A_273 = arith.maximumf %scan3A_235, %get3A_272 : vector<16xf32>
        %scan3A_274 = arith.constant 1 : i32
        %scan3A_275 = arith.addi %scan3A_227, %scan3A_274 : i32
        %get3A_276 = arith.index_cast %scan3A_275 : i32 to index
        %get3A_277 = arith.constant 0 : index
        %get3A_278 = tpu.vector_load %arg7[%get3A_276, %get3A_277] {strides = array<i32>} : memref<200x128xf32, #tpu.memory_space<vmem>>, vector<1x16xf32>,
        %get3A_279 = vector.shape_cast %get3A_278 : vector<1x16xf32> to vector<16xf32>
        %max3A_280 = arith.maximumf %max3A, %get3A_279 : vector<16xf32>
        %get3A_281 = arith.index_cast %scan3A_275 : i32 to index
        %get3A_282 = arith.constant 16 : index
        %get3A_283 = tpu.vector_load %arg7[%get3A_281, %get3A_282] {strides = array<i32>} : memref<200x128xf32, #tpu.memory_space<vmem>>, vector<1x16xf32>,
        %get3A_284 = vector.shape_cast %get3A_283 : vector<1x16xf32> to vector<16xf32>
        %max3A_285 = arith.maximumf %max3A_243, %get3A_284 : vector<16xf32>
        %get3A_286 = arith.index_cast %scan3A_275 : i32 to index
        %get3A_287 = arith.constant 32 : index
        %get3A_288 = tpu.vector_load %arg7[%get3A_286, %get3A_287] {strides = array<i32>} : memref<200x128xf32, #tpu.memory_space<vmem>>, vector<1x16xf32>,
        %get3A_289 = vector.shape_cast %get3A_288 : vector<1x16xf32> to vector<16xf32>
        %max3A_290 = arith.maximumf %max3A_248, %get3A_289 : vector<16xf32>
        %get3A_291 = arith.index_cast %scan3A_275 : i32 to index
        %get3A_292 = arith.constant 48 : index
        %get3A_293 = tpu.vector_load %arg7[%get3A_291, %get3A_292] {strides = array<i32>} : memref<200x128xf32, #tpu.memory_space<vmem>>, vector<1x16xf32>,
        %get3A_294 = vector.shape_cast %get3A_293 : vector<1x16xf32> to vector<16xf32>
        %max3A_295 = arith.maximumf %max3A_253, %get3A_294 : vector<16xf32>
        %get3A_296 = arith.index_cast %scan3A_275 : i32 to index
        %get3A_297 = arith.constant 64 : index
        %get3A_298 = tpu.vector_load %arg7[%get3A_296, %get3A_297] {strides = array<i32>} : memref<200x128xf32, #tpu.memory_space<vmem>>, vector<1x16xf32>,
        %get3A_299 = vector.shape_cast %get3A_298 : vector<1x16xf32> to vector<16xf32>
        %max3A_300 = arith.maximumf %max3A_258, %get3A_299 : vector<16xf32>
        %get3A_301 = arith.index_cast %scan3A_275 : i32 to index
        %get3A_302 = arith.constant 80 : index
        %get3A_303 = tpu.vector_load %arg7[%get3A_301, %get3A_302] {strides = array<i32>} : memref<200x128xf32, #tpu.memory_space<vmem>>, vector<1x16xf32>,
        %get3A_304 = vector.shape_cast %get3A_303 : vector<1x16xf32> to vector<16xf32>
        %max3A_305 = arith.maximumf %max3A_263, %get3A_304 : vector<16xf32>
        %get3A_306 = arith.index_cast %scan3A_275 : i32 to index
        %get3A_307 = arith.constant 96 : index
        %get3A_308 = tpu.vector_load %arg7[%get3A_306, %get3A_307] {strides = array<i32>} : memref<200x128xf32, #tpu.memory_space<vmem>>, vector<1x16xf32>,
        %get3A_309 = vector.shape_cast %get3A_308 : vector<1x16xf32> to vector<16xf32>
        %max3A_310 = arith.maximumf %max3A_268, %get3A_309 : vector<16xf32>
        %get3A_311 = arith.index_cast %scan3A_275 : i32 to index
        %get3A_312 = arith.constant 112 : index
        %get3A_313 = tpu.vector_load %arg7[%get3A_311, %get3A_312] {strides = array<i32>} : memref<200x128xf32, #tpu.memory_space<vmem>>, vector<1x16xf32>,
        %get3A_314 = vector.shape_cast %get3A_313 : vector<1x16xf32> to vector<16xf32>
        %max3A_315 = arith.maximumf %max3A_273, %get3A_314 : vector<16xf32>
        %scan3A_316 = arith.constant 2 : i32
        %scan3A_317 = arith.addi %scan3A_227, %scan3A_316 : i32
        %get3A_318 = arith.index_cast %scan3A_317 : i32 to index
        %get3A_319 = arith.constant 0 : index
        %get3A_320 = tpu.vector_load %arg7[%get3A_318, %get3A_319] {strides = array<i32>} : memref<200x128xf32, #tpu.memory_space<vmem>>, vector<1x16xf32>,
        %get3A_321 = vector.shape_cast %get3A_320 : vector<1x16xf32> to vector<16xf32>
        %max3A_322 = arith.maximumf %max3A_280, %get3A_321 : vector<16xf32>
        %get3A_323 = arith.index_cast %scan3A_317 : i32 to index
        %get3A_324 = arith.constant 16 : index
        %get3A_325 = tpu.vector_load %arg7[%get3A_323, %get3A_324] {strides = array<i32>} : memref<200x128xf32, #tpu.memory_space<vmem>>, vector<1x16xf32>,
        %get3A_326 = vector.shape_cast %get3A_325 : vector<1x16xf32> to vector<16xf32>
        %max3A_327 = arith.maximumf %max3A_285, %get3A_326 : vector<16xf32>
        %get3A_328 = arith.index_cast %scan3A_317 : i32 to index
        %get3A_329 = arith.constant 32 : index
        %get3A_330 = tpu.vector_load %arg7[%get3A_328, %get3A_329] {strides = array<i32>} : memref<200x128xf32, #tpu.memory_space<vmem>>, vector<1x16xf32>,
        %get3A_331 = vector.shape_cast %get3A_330 : vector<1x16xf32> to vector<16xf32>
        %max3A_332 = arith.maximumf %max3A_290, %get3A_331 : vector<16xf32>
        %get3A_333 = arith.index_cast %scan3A_317 : i32 to index
        %get3A_334 = arith.constant 48 : index
        %get3A_335 = tpu.vector_load %arg7[%get3A_333, %get3A_334] {strides = array<i32>} : memref<200x128xf32, #tpu.memory_space<vmem>>, vector<1x16xf32>,
        %get3A_336 = vector.shape_cast %get3A_335 : vector<1x16xf32> to vector<16xf32>
        %max3A_337 = arith.maximumf %max3A_295, %get3A_336 : vector<16xf32>
        %get3A_338 = arith.index_cast %scan3A_317 : i32 to index
        %get3A_339 = arith.constant 64 : index
        %get3A_340 = tpu.vector_load %arg7[%get3A_338, %get3A_339] {strides = array<i32>} : memref<200x128xf32, #tpu.memory_space<vmem>>, vector<1x16xf32>,
        %get3A_341 = vector.shape_cast %get3A_340 : vector<1x16xf32> to vector<16xf32>
        %max3A_342 = arith.maximumf %max3A_300, %get3A_341 : vector<16xf32>
        %get3A_343 = arith.index_cast %scan3A_317 : i32 to index
        %get3A_344 = arith.constant 80 : index
        %get3A_345 = tpu.vector_load %arg7[%get3A_343, %get3A_344] {strides = array<i32>} : memref<200x128xf32, #tpu.memory_space<vmem>>, vector<1x16xf32>,
        %get3A_346 = vector.shape_cast %get3A_345 : vector<1x16xf32> to vector<16xf32>
        %max3A_347 = arith.maximumf %max3A_305, %get3A_346 : vector<16xf32>
        %get3A_348 = arith.index_cast %scan3A_317 : i32 to index
        %get3A_349 = arith.constant 96 : index
        %get3A_350 = tpu.vector_load %arg7[%get3A_348, %get3A_349] {strides = array<i32>} : memref<200x128xf32, #tpu.memory_space<vmem>>, vector<1x16xf32>,
        %get3A_351 = vector.shape_cast %get3A_350 : vector<1x16xf32> to vector<16xf32>
        %max3A_352 = arith.maximumf %max3A_310, %get3A_351 : vector<16xf32>
        %get3A_353 = arith.index_cast %scan3A_317 : i32 to index
        %get3A_354 = arith.constant 112 : index
        %get3A_355 = tpu.vector_load %arg7[%get3A_353, %get3A_354] {strides = array<i32>} : memref<200x128xf32, #tpu.memory_space<vmem>>, vector<1x16xf32>,
        %get3A_356 = vector.shape_cast %get3A_355 : vector<1x16xf32> to vector<16xf32>
        %max3A_357 = arith.maximumf %max3A_315, %get3A_356 : vector<16xf32>
        %scan3A_358 = arith.constant 3 : i32
        %scan3A_359 = arith.addi %scan3A_227, %scan3A_358 : i32
        %get3A_360 = arith.index_cast %scan3A_359 : i32 to index
        %get3A_361 = arith.constant 0 : index
        %get3A_362 = tpu.vector_load %arg7[%get3A_360, %get3A_361] {strides = array<i32>} : memref<200x128xf32, #tpu.memory_space<vmem>>, vector<1x16xf32>,
        %get3A_363 = vector.shape_cast %get3A_362 : vector<1x16xf32> to vector<16xf32>
        %max3A_364 = arith.maximumf %max3A_322, %get3A_363 : vector<16xf32>
        %get3A_365 = arith.index_cast %scan3A_359 : i32 to index
        %get3A_366 = arith.constant 16 : index
        %get3A_367 = tpu.vector_load %arg7[%get3A_365, %get3A_366] {strides = array<i32>} : memref<200x128xf32, #tpu.memory_space<vmem>>, vector<1x16xf32>,
        %get3A_368 = vector.shape_cast %get3A_367 : vector<1x16xf32> to vector<16xf32>
        %max3A_369 = arith.maximumf %max3A_327, %get3A_368 : vector<16xf32>
        %get3A_370 = arith.index_cast %scan3A_359 : i32 to index
        %get3A_371 = arith.constant 32 : index
        %get3A_372 = tpu.vector_load %arg7[%get3A_370, %get3A_371] {strides = array<i32>} : memref<200x128xf32, #tpu.memory_space<vmem>>, vector<1x16xf32>,
        %get3A_373 = vector.shape_cast %get3A_372 : vector<1x16xf32> to vector<16xf32>
        %max3A_374 = arith.maximumf %max3A_332, %get3A_373 : vector<16xf32>
        %get3A_375 = arith.index_cast %scan3A_359 : i32 to index
        %get3A_376 = arith.constant 48 : index
        %get3A_377 = tpu.vector_load %arg7[%get3A_375, %get3A_376] {strides = array<i32>} : memref<200x128xf32, #tpu.memory_space<vmem>>, vector<1x16xf32>,
        %get3A_378 = vector.shape_cast %get3A_377 : vector<1x16xf32> to vector<16xf32>
        %max3A_379 = arith.maximumf %max3A_337, %get3A_378 : vector<16xf32>
        %get3A_380 = arith.index_cast %scan3A_359 : i32 to index
        %get3A_381 = arith.constant 64 : index
        %get3A_382 = tpu.vector_load %arg7[%get3A_380, %get3A_381] {strides = array<i32>} : memref<200x128xf32, #tpu.memory_space<vmem>>, vector<1x16xf32>,
        %get3A_383 = vector.shape_cast %get3A_382 : vector<1x16xf32> to vector<16xf32>
        %max3A_384 = arith.maximumf %max3A_342, %get3A_383 : vector<16xf32>
        %get3A_385 = arith.index_cast %scan3A_359 : i32 to index
        %get3A_386 = arith.constant 80 : index
        %get3A_387 = tpu.vector_load %arg7[%get3A_385, %get3A_386] {strides = array<i32>} : memref<200x128xf32, #tpu.memory_space<vmem>>, vector<1x16xf32>,
        %get3A_388 = vector.shape_cast %get3A_387 : vector<1x16xf32> to vector<16xf32>
        %max3A_389 = arith.maximumf %max3A_347, %get3A_388 : vector<16xf32>
        %get3A_390 = arith.index_cast %scan3A_359 : i32 to index
        %get3A_391 = arith.constant 96 : index
        %get3A_392 = tpu.vector_load %arg7[%get3A_390, %get3A_391] {strides = array<i32>} : memref<200x128xf32, #tpu.memory_space<vmem>>, vector<1x16xf32>,
        %get3A_393 = vector.shape_cast %get3A_392 : vector<1x16xf32> to vector<16xf32>
        %max3A_394 = arith.maximumf %max3A_352, %get3A_393 : vector<16xf32>
        %get3A_395 = arith.index_cast %scan3A_359 : i32 to index
        %get3A_396 = arith.constant 112 : index
        %get3A_397 = tpu.vector_load %arg7[%get3A_395, %get3A_396] {strides = array<i32>} : memref<200x128xf32, #tpu.memory_space<vmem>>, vector<1x16xf32>,
        %get3A_398 = vector.shape_cast %get3A_397 : vector<1x16xf32> to vector<16xf32>
        %max3A_399 = arith.maximumf %max3A_357, %get3A_398 : vector<16xf32>
        %scan3A_400 = arith.constant 4 : i32
        %scan3A_401 = arith.addi %scan3A_227, %scan3A_400 : i32
        %get3A_402 = arith.index_cast %scan3A_401 : i32 to index
        %get3A_403 = arith.constant 0 : index
        %get3A_404 = tpu.vector_load %arg7[%get3A_402, %get3A_403] {strides = array<i32>} : memref<200x128xf32, #tpu.memory_space<vmem>>, vector<1x16xf32>,
        %get3A_405 = vector.shape_cast %get3A_404 : vector<1x16xf32> to vector<16xf32>
        %max3A_406 = arith.maximumf %max3A_364, %get3A_405 : vector<16xf32>
        %get3A_407 = arith.index_cast %scan3A_401 : i32 to index
        %get3A_408 = arith.constant 16 : index
        %get3A_409 = tpu.vector_load %arg7[%get3A_407, %get3A_408] {strides = array<i32>} : memref<200x128xf32, #tpu.memory_space<vmem>>, vector<1x16xf32>,
        %get3A_410 = vector.shape_cast %get3A_409 : vector<1x16xf32> to vector<16xf32>
        %max3A_411 = arith.maximumf %max3A_369, %get3A_410 : vector<16xf32>
        %get3A_412 = arith.index_cast %scan3A_401 : i32 to index
        %get3A_413 = arith.constant 32 : index
        %get3A_414 = tpu.vector_load %arg7[%get3A_412, %get3A_413] {strides = array<i32>} : memref<200x128xf32, #tpu.memory_space<vmem>>, vector<1x16xf32>,
        %get3A_415 = vector.shape_cast %get3A_414 : vector<1x16xf32> to vector<16xf32>
        %max3A_416 = arith.maximumf %max3A_374, %get3A_415 : vector<16xf32>
        %get3A_417 = arith.index_cast %scan3A_401 : i32 to index
        %get3A_418 = arith.constant 48 : index
        %get3A_419 = tpu.vector_load %arg7[%get3A_417, %get3A_418] {strides = array<i32>} : memref<200x128xf32, #tpu.memory_space<vmem>>, vector<1x16xf32>,
        %get3A_420 = vector.shape_cast %get3A_419 : vector<1x16xf32> to vector<16xf32>
        %max3A_421 = arith.maximumf %max3A_379, %get3A_420 : vector<16xf32>
        %get3A_422 = arith.index_cast %scan3A_401 : i32 to index
        %get3A_423 = arith.constant 64 : index
        %get3A_424 = tpu.vector_load %arg7[%get3A_422, %get3A_423] {strides = array<i32>} : memref<200x128xf32, #tpu.memory_space<vmem>>, vector<1x16xf32>,
        %get3A_425 = vector.shape_cast %get3A_424 : vector<1x16xf32> to vector<16xf32>
        %max3A_426 = arith.maximumf %max3A_384, %get3A_425 : vector<16xf32>
        %get3A_427 = arith.index_cast %scan3A_401 : i32 to index
        %get3A_428 = arith.constant 80 : index
        %get3A_429 = tpu.vector_load %arg7[%get3A_427, %get3A_428] {strides = array<i32>} : memref<200x128xf32, #tpu.memory_space<vmem>>, vector<1x16xf32>,
        %get3A_430 = vector.shape_cast %get3A_429 : vector<1x16xf32> to vector<16xf32>
        %max3A_431 = arith.maximumf %max3A_389, %get3A_430 : vector<16xf32>
        %get3A_432 = arith.index_cast %scan3A_401 : i32 to index
        %get3A_433 = arith.constant 96 : index
        %get3A_434 = tpu.vector_load %arg7[%get3A_432, %get3A_433] {strides = array<i32>} : memref<200x128xf32, #tpu.memory_space<vmem>>, vector<1x16xf32>,
        %get3A_435 = vector.shape_cast %get3A_434 : vector<1x16xf32> to vector<16xf32>
        %max3A_436 = arith.maximumf %max3A_394, %get3A_435 : vector<16xf32>
        %get3A_437 = arith.index_cast %scan3A_401 : i32 to index
        %get3A_438 = arith.constant 112 : index
        %get3A_439 = tpu.vector_load %arg7[%get3A_437, %get3A_438] {strides = array<i32>} : memref<200x128xf32, #tpu.memory_space<vmem>>, vector<1x16xf32>,
        %get3A_440 = vector.shape_cast %get3A_439 : vector<1x16xf32> to vector<16xf32>
        %max3A_441 = arith.maximumf %max3A_399, %get3A_440 : vector<16xf32>
        %scan3A_442 = arith.constant 5 : i32
        %scan3A_443 = arith.addi %scan3A_227, %scan3A_442 : i32
        %get3A_444 = arith.index_cast %scan3A_443 : i32 to index
        %get3A_445 = arith.constant 0 : index
        %get3A_446 = tpu.vector_load %arg7[%get3A_444, %get3A_445] {strides = array<i32>} : memref<200x128xf32, #tpu.memory_space<vmem>>, vector<1x16xf32>,
        %get3A_447 = vector.shape_cast %get3A_446 : vector<1x16xf32> to vector<16xf32>
        %max3A_448 = arith.maximumf %max3A_406, %get3A_447 : vector<16xf32>
        %get3A_449 = arith.index_cast %scan3A_443 : i32 to index
        %get3A_450 = arith.constant 16 : index
        %get3A_451 = tpu.vector_load %arg7[%get3A_449, %get3A_450] {strides = array<i32>} : memref<200x128xf32, #tpu.memory_space<vmem>>, vector<1x16xf32>,
        %get3A_452 = vector.shape_cast %get3A_451 : vector<1x16xf32> to vector<16xf32>
        %max3A_453 = arith.maximumf %max3A_411, %get3A_452 : vector<16xf32>
        %get3A_454 = arith.index_cast %scan3A_443 : i32 to index
        %get3A_455 = arith.constant 32 : index
        %get3A_456 = tpu.vector_load %arg7[%get3A_454, %get3A_455] {strides = array<i32>} : memref<200x128xf32, #tpu.memory_space<vmem>>, vector<1x16xf32>,
        %get3A_457 = vector.shape_cast %get3A_456 : vector<1x16xf32> to vector<16xf32>
        %max3A_458 = arith.maximumf %max3A_416, %get3A_457 : vector<16xf32>
        %get3A_459 = arith.index_cast %scan3A_443 : i32 to index
        %get3A_460 = arith.constant 48 : index
        %get3A_461 = tpu.vector_load %arg7[%get3A_459, %get3A_460] {strides = array<i32>} : memref<200x128xf32, #tpu.memory_space<vmem>>, vector<1x16xf32>,
        %get3A_462 = vector.shape_cast %get3A_461 : vector<1x16xf32> to vector<16xf32>
        %max3A_463 = arith.maximumf %max3A_421, %get3A_462 : vector<16xf32>
        %get3A_464 = arith.index_cast %scan3A_443 : i32 to index
        %get3A_465 = arith.constant 64 : index
        %get3A_466 = tpu.vector_load %arg7[%get3A_464, %get3A_465] {strides = array<i32>} : memref<200x128xf32, #tpu.memory_space<vmem>>, vector<1x16xf32>,
        %get3A_467 = vector.shape_cast %get3A_466 : vector<1x16xf32> to vector<16xf32>
        %max3A_468 = arith.maximumf %max3A_426, %get3A_467 : vector<16xf32>
        %get3A_469 = arith.index_cast %scan3A_443 : i32 to index
        %get3A_470 = arith.constant 80 : index
        %get3A_471 = tpu.vector_load %arg7[%get3A_469, %get3A_470] {strides = array<i32>} : memref<200x128xf32, #tpu.memory_space<vmem>>, vector<1x16xf32>,
        %get3A_472 = vector.shape_cast %get3A_471 : vector<1x16xf32> to vector<16xf32>
        %max3A_473 = arith.maximumf %max3A_431, %get3A_472 : vector<16xf32>
        %get3A_474 = arith.index_cast %scan3A_443 : i32 to index
        %get3A_475 = arith.constant 96 : index
        %get3A_476 = tpu.vector_load %arg7[%get3A_474, %get3A_475] {strides = array<i32>} : memref<200x128xf32, #tpu.memory_space<vmem>>, vector<1x16xf32>,
        %get3A_477 = vector.shape_cast %get3A_476 : vector<1x16xf32> to vector<16xf32>
        %max3A_478 = arith.maximumf %max3A_436, %get3A_477 : vector<16xf32>
        %get3A_479 = arith.index_cast %scan3A_443 : i32 to index
        %get3A_480 = arith.constant 112 : index
        %get3A_481 = tpu.vector_load %arg7[%get3A_479, %get3A_480] {strides = array<i32>} : memref<200x128xf32, #tpu.memory_space<vmem>>, vector<1x16xf32>,
        %get3A_482 = vector.shape_cast %get3A_481 : vector<1x16xf32> to vector<16xf32>
        %max3A_483 = arith.maximumf %max3A_441, %get3A_482 : vector<16xf32>
        %scan3A_484 = arith.constant 6 : i32
        %scan3A_485 = arith.addi %scan3A_227, %scan3A_484 : i32
        %get3A_486 = arith.index_cast %scan3A_485 : i32 to index
        %get3A_487 = arith.constant 0 : index
        %get3A_488 = tpu.vector_load %arg7[%get3A_486, %get3A_487] {strides = array<i32>} : memref<200x128xf32, #tpu.memory_space<vmem>>, vector<1x16xf32>,
        %get3A_489 = vector.shape_cast %get3A_488 : vector<1x16xf32> to vector<16xf32>
        %max3A_490 = arith.maximumf %max3A_448, %get3A_489 : vector<16xf32>
        %get3A_491 = arith.index_cast %scan3A_485 : i32 to index
        %get3A_492 = arith.constant 16 : index
        %get3A_493 = tpu.vector_load %arg7[%get3A_491, %get3A_492] {strides = array<i32>} : memref<200x128xf32, #tpu.memory_space<vmem>>, vector<1x16xf32>,
        %get3A_494 = vector.shape_cast %get3A_493 : vector<1x16xf32> to vector<16xf32>
        %max3A_495 = arith.maximumf %max3A_453, %get3A_494 : vector<16xf32>
        %get3A_496 = arith.index_cast %scan3A_485 : i32 to index
        %get3A_497 = arith.constant 32 : index
        %get3A_498 = tpu.vector_load %arg7[%get3A_496, %get3A_497] {strides = array<i32>} : memref<200x128xf32, #tpu.memory_space<vmem>>, vector<1x16xf32>,
        %get3A_499 = vector.shape_cast %get3A_498 : vector<1x16xf32> to vector<16xf32>
        %max3A_500 = arith.maximumf %max3A_458, %get3A_499 : vector<16xf32>
        %get3A_501 = arith.index_cast %scan3A_485 : i32 to index
        %get3A_502 = arith.constant 48 : index
        %get3A_503 = tpu.vector_load %arg7[%get3A_501, %get3A_502] {strides = array<i32>} : memref<200x128xf32, #tpu.memory_space<vmem>>, vector<1x16xf32>,
        %get3A_504 = vector.shape_cast %get3A_503 : vector<1x16xf32> to vector<16xf32>
        %max3A_505 = arith.maximumf %max3A_463, %get3A_504 : vector<16xf32>
        %get3A_506 = arith.index_cast %scan3A_485 : i32 to index
        %get3A_507 = arith.constant 64 : index
        %get3A_508 = tpu.vector_load %arg7[%get3A_506, %get3A_507] {strides = array<i32>} : memref<200x128xf32, #tpu.memory_space<vmem>>, vector<1x16xf32>,
        %get3A_509 = vector.shape_cast %get3A_508 : vector<1x16xf32> to vector<16xf32>
        %max3A_510 = arith.maximumf %max3A_468, %get3A_509 : vector<16xf32>
        %get3A_511 = arith.index_cast %scan3A_485 : i32 to index
        %get3A_512 = arith.constant 80 : index
        %get3A_513 = tpu.vector_load %arg7[%get3A_511, %get3A_512] {strides = array<i32>} : memref<200x128xf32, #tpu.memory_space<vmem>>, vector<1x16xf32>,
        %get3A_514 = vector.shape_cast %get3A_513 : vector<1x16xf32> to vector<16xf32>
        %max3A_515 = arith.maximumf %max3A_473, %get3A_514 : vector<16xf32>
        %get3A_516 = arith.index_cast %scan3A_485 : i32 to index
        %get3A_517 = arith.constant 96 : index
        %get3A_518 = tpu.vector_load %arg7[%get3A_516, %get3A_517] {strides = array<i32>} : memref<200x128xf32, #tpu.memory_space<vmem>>, vector<1x16xf32>,
        %get3A_519 = vector.shape_cast %get3A_518 : vector<1x16xf32> to vector<16xf32>
        %max3A_520 = arith.maximumf %max3A_478, %get3A_519 : vector<16xf32>
        %get3A_521 = arith.index_cast %scan3A_485 : i32 to index
        %get3A_522 = arith.constant 112 : index
        %get3A_523 = tpu.vector_load %arg7[%get3A_521, %get3A_522] {strides = array<i32>} : memref<200x128xf32, #tpu.memory_space<vmem>>, vector<1x16xf32>,
        %get3A_524 = vector.shape_cast %get3A_523 : vector<1x16xf32> to vector<16xf32>
        %max3A_525 = arith.maximumf %max3A_483, %get3A_524 : vector<16xf32>
        %scan3A_526 = arith.constant 7 : i32
        %scan3A_527 = arith.addi %scan3A_227, %scan3A_526 : i32
        %get3A_528 = arith.index_cast %scan3A_527 : i32 to index
        %get3A_529 = arith.constant 0 : index
        %get3A_530 = tpu.vector_load %arg7[%get3A_528, %get3A_529] {strides = array<i32>} : memref<200x128xf32, #tpu.memory_space<vmem>>, vector<1x16xf32>,
        %get3A_531 = vector.shape_cast %get3A_530 : vector<1x16xf32> to vector<16xf32>
        %max3A_532 = arith.maximumf %max3A_490, %get3A_531 : vector<16xf32>
        %get3A_533 = arith.index_cast %scan3A_527 : i32 to index
        %get3A_534 = arith.constant 16 : index
        %get3A_535 = tpu.vector_load %arg7[%get3A_533, %get3A_534] {strides = array<i32>} : memref<200x128xf32, #tpu.memory_space<vmem>>, vector<1x16xf32>,
        %get3A_536 = vector.shape_cast %get3A_535 : vector<1x16xf32> to vector<16xf32>
        %max3A_537 = arith.maximumf %max3A_495, %get3A_536 : vector<16xf32>
        %get3A_538 = arith.index_cast %scan3A_527 : i32 to index
        %get3A_539 = arith.constant 32 : index
        %get3A_540 = tpu.vector_load %arg7[%get3A_538, %get3A_539] {strides = array<i32>} : memref<200x128xf32, #tpu.memory_space<vmem>>, vector<1x16xf32>,
        %get3A_541 = vector.shape_cast %get3A_540 : vector<1x16xf32> to vector<16xf32>
        %max3A_542 = arith.maximumf %max3A_500, %get3A_541 : vector<16xf32>
        %get3A_543 = arith.index_cast %scan3A_527 : i32 to index
        %get3A_544 = arith.constant 48 : index
        %get3A_545 = tpu.vector_load %arg7[%get3A_543, %get3A_544] {strides = array<i32>} : memref<200x128xf32, #tpu.memory_space<vmem>>, vector<1x16xf32>,
        %get3A_546 = vector.shape_cast %get3A_545 : vector<1x16xf32> to vector<16xf32>
        %max3A_547 = arith.maximumf %max3A_505, %get3A_546 : vector<16xf32>
        %get3A_548 = arith.index_cast %scan3A_527 : i32 to index
        %get3A_549 = arith.constant 64 : index
        %get3A_550 = tpu.vector_load %arg7[%get3A_548, %get3A_549] {strides = array<i32>} : memref<200x128xf32, #tpu.memory_space<vmem>>, vector<1x16xf32>,
        %get3A_551 = vector.shape_cast %get3A_550 : vector<1x16xf32> to vector<16xf32>
        %max3A_552 = arith.maximumf %max3A_510, %get3A_551 : vector<16xf32>
        %get3A_553 = arith.index_cast %scan3A_527 : i32 to index
        %get3A_554 = arith.constant 80 : index
        %get3A_555 = tpu.vector_load %arg7[%get3A_553, %get3A_554] {strides = array<i32>} : memref<200x128xf32, #tpu.memory_space<vmem>>, vector<1x16xf32>,
        %get3A_556 = vector.shape_cast %get3A_555 : vector<1x16xf32> to vector<16xf32>
        %max3A_557 = arith.maximumf %max3A_515, %get3A_556 : vector<16xf32>
        %get3A_558 = arith.index_cast %scan3A_527 : i32 to index
        %get3A_559 = arith.constant 96 : index
        %get3A_560 = tpu.vector_load %arg7[%get3A_558, %get3A_559] {strides = array<i32>} : memref<200x128xf32, #tpu.memory_space<vmem>>, vector<1x16xf32>,
        %get3A_561 = vector.shape_cast %get3A_560 : vector<1x16xf32> to vector<16xf32>
        %max3A_562 = arith.maximumf %max3A_520, %get3A_561 : vector<16xf32>
        %get3A_563 = arith.index_cast %scan3A_527 : i32 to index
        %get3A_564 = arith.constant 112 : index
        %get3A_565 = tpu.vector_load %arg7[%get3A_563, %get3A_564] {strides = array<i32>} : memref<200x128xf32, #tpu.memory_space<vmem>>, vector<1x16xf32>,
        %get3A_566 = vector.shape_cast %get3A_565 : vector<1x16xf32> to vector<16xf32>
        %max3A_567 = arith.maximumf %max3A_525, %get3A_566 : vector<16xf32>
        scf.yield %max3A_532, %max3A_537, %max3A_542, %max3A_547, %max3A_552, %max3A_557, %max3A_562, %max3A_567 : vector<16xf32>, vector<16xf32>, vector<16xf32>, vector<16xf32>, vector<16xf32>, vector<16xf32>, vector<16xf32>, vector<16xf32>
      }
      %scan3A_186 = arith.constant 200 : i32
      %swap3A_187 = arith.index_cast %add3A_164 : i32 to index
      %swap3A_188 = arith.constant 0 : index
      %swap3A_189 = tpu.vector_load %arg8[%swap3A_187, %swap3A_188] {strides = array<i32>} : memref<32x128xf32, #tpu.memory_space<vmem>>, vector<1x16xf32>,
      %swap3A_190 = vector.shape_cast %swap3A_189 : vector<1x16xf32> to vector<16xf32>
      %swap3A_191 = vector.shape_cast %scan3A_185#0 : vector<16xf32> to vector<1x16xf32>
      tpu.vector_store %arg8[%swap3A_187, %swap3A_188], %swap3A_191 {strides = array<i32>} : memref<32x128xf32, #tpu.memory_space<vmem>>, vector<1x16xf32>,
      %swap3A_192 = arith.index_cast %add3A_164 : i32 to index
      %swap3A_193 = arith.constant 16 : index
      %swap3A_194 = tpu.vector_load %arg8[%swap3A_192, %swap3A_193] {strides = array<i32>} : memref<32x128xf32, #tpu.memory_space<vmem>>, vector<1x16xf32>,
      %swap3A_195 = vector.shape_cast %swap3A_194 : vector<1x16xf32> to vector<16xf32>
      %swap3A_196 = vector.shape_cast %scan3A_185#1 : vector<16xf32> to vector<1x16xf32>
      tpu.vector_store %arg8[%swap3A_192, %swap3A_193], %swap3A_196 {strides = array<i32>} : memref<32x128xf32, #tpu.memory_space<vmem>>, vector<1x16xf32>,
      %swap3A_197 = arith.index_cast %add3A_164 : i32 to index
      %swap3A_198 = arith.constant 32 : index
      %swap3A_199 = tpu.vector_load %arg8[%swap3A_197, %swap3A_198] {strides = array<i32>} : memref<32x128xf32, #tpu.memory_space<vmem>>, vector<1x16xf32>,
      %swap3A_200 = vector.shape_cast %swap3A_199 : vector<1x16xf32> to vector<16xf32>
      %swap3A_201 = vector.shape_cast %scan3A_185#2 : vector<16xf32> to vector<1x16xf32>
      tpu.vector_store %arg8[%swap3A_197, %swap3A_198], %swap3A_201 {strides = array<i32>} : memref<32x128xf32, #tpu.memory_space<vmem>>, vector<1x16xf32>,
      %swap3A_202 = arith.index_cast %add3A_164 : i32 to index
      %swap3A_203 = arith.constant 48 : index
      %swap3A_204 = tpu.vector_load %arg8[%swap3A_202, %swap3A_203] {strides = array<i32>} : memref<32x128xf32, #tpu.memory_space<vmem>>, vector<1x16xf32>,
      %swap3A_205 = vector.shape_cast %swap3A_204 : vector<1x16xf32> to vector<16xf32>
      %swap3A_206 = vector.shape_cast %scan3A_185#3 : vector<16xf32> to vector<1x16xf32>
      tpu.vector_store %arg8[%swap3A_202, %swap3A_203], %swap3A_206 {strides = array<i32>} : memref<32x128xf32, #tpu.memory_space<vmem>>, vector<1x16xf32>,
      %swap3A_207 = arith.index_cast %add3A_164 : i32 to index
      %swap3A_208 = arith.constant 64 : index
      %swap3A_209 = tpu.vector_load %arg8[%swap3A_207, %swap3A_208] {strides = array<i32>} : memref<32x128xf32, #tpu.memory_space<vmem>>, vector<1x16xf32>,
      %swap3A_210 = vector.shape_cast %swap3A_209 : vector<1x16xf32> to vector<16xf32>
      %swap3A_211 = vector.shape_cast %scan3A_185#4 : vector<16xf32> to vector<1x16xf32>
      tpu.vector_store %arg8[%swap3A_207, %swap3A_208], %swap3A_211 {strides = array<i32>} : memref<32x128xf32, #tpu.memory_space<vmem>>, vector<1x16xf32>,
      %swap3A_212 = arith.index_cast %add3A_164 : i32 to index
      %swap3A_213 = arith.constant 80 : index
      %swap3A_214 = tpu.vector_load %arg8[%swap3A_212, %swap3A_213] {strides = array<i32>} : memref<32x128xf32, #tpu.memory_space<vmem>>, vector<1x16xf32>,
      %swap3A_215 = vector.shape_cast %swap3A_214 : vector<1x16xf32> to vector<16xf32>
      %swap3A_216 = vector.shape_cast %scan3A_185#5 : vector<16xf32> to vector<1x16xf32>
      tpu.vector_store %arg8[%swap3A_212, %swap3A_213], %swap3A_216 {strides = array<i32>} : memref<32x128xf32, #tpu.memory_space<vmem>>, vector<1x16xf32>,
      %swap3A_217 = arith.index_cast %add3A_164 : i32 to index
      %swap3A_218 = arith.constant 96 : index
      %swap3A_219 = tpu.vector_load %arg8[%swap3A_217, %swap3A_218] {strides = array<i32>} : memref<32x128xf32, #tpu.memory_space<vmem>>, vector<1x16xf32>,
      %swap3A_220 = vector.shape_cast %swap3A_219 : vector<1x16xf32> to vector<16xf32>
      %swap3A_221 = vector.shape_cast %scan3A_185#6 : vector<16xf32> to vector<1x16xf32>
      tpu.vector_store %arg8[%swap3A_217, %swap3A_218], %swap3A_221 {strides = array<i32>} : memref<32x128xf32, #tpu.memory_space<vmem>>, vector<1x16xf32>,
      %swap3A_222 = arith.index_cast %add3A_164 : i32 to index
      %swap3A_223 = arith.constant 112 : index
      %swap3A_224 = tpu.vector_load %arg8[%swap3A_222, %swap3A_223] {strides = array<i32>} : memref<32x128xf32, #tpu.memory_space<vmem>>, vector<1x16xf32>,
      %swap3A_225 = vector.shape_cast %swap3A_224 : vector<1x16xf32> to vector<16xf32>
      %swap3A_226 = vector.shape_cast %scan3A_185#7 : vector<16xf32> to vector<1x16xf32>
      tpu.vector_store %arg8[%swap3A_222, %swap3A_223], %swap3A_226 {strides = array<i32>} : memref<32x128xf32, #tpu.memory_space<vmem>>, vector<1x16xf32>,
    }
    %scan3A_26 = arith.constant 16 : i32
    %mul3A_27 = arith.constant 32 : i32
    %mul3A_28 = arith.muli %add3A, %mul3A_27 : i32
    "tpu.region"() ({
      %run_scoped3A = tpu.sem_alloc : memref<!tpu.dma_semaphore, #tpu.memory_space<semaphore_mem>>
      %dma_start3A_29 = arith.constant 0 : i32
      %dma_start3A_30 = tpu.memref_slice %arg4[%mul3A_28, %dma_start3A_29] : memref<1024x128xf32, #tpu.memory_space<hbm>> -> memref<32x128xf32, #tpu.memory_space<hbm>>
      %dma_start3A_31 = arith.constant 0 : i32
      %dma_start3A_32 = tpu.memref_slice %arg4[%mul3A_28, %dma_start3A_31] : memref<1024x128xf32, #tpu.memory_space<hbm>> -> memref<32x128xf32, #tpu.memory_space<hbm>>
      tpu.enqueue_dma source(%arg8 : memref<32x128xf32, #tpu.memory_space<vmem>>) target(%dma_start3A_32 : memref<32x128xf32, #tpu.memory_space<hbm>>) target_semaphore(%run_scoped3A : memref<!tpu.dma_semaphore, #tpu.memory_space<semaphore_mem>>)
      %dma_wait3A = arith.constant 0 : i32
      %dma_wait3A_33 = tpu.memref_slice %arg4[%mul3A_28, %dma_wait3A] : memref<1024x128xf32, #tpu.memory_space<hbm>> -> memref<32x128xf32, #tpu.memory_space<hbm>>
      %dma_wait3A_34 = arith.constant 0 : i32
      %dma_wait3A_35 = tpu.memref_slice %arg4[%mul3A_28, %dma_wait3A_34] : memref<1024x128xf32, #tpu.memory_space<hbm>> -> memref<32x128xf32, #tpu.memory_space<hbm>>
      tpu.wait_dma2 semaphore(%run_scoped3A : memref<!tpu.dma_semaphore, #tpu.memory_space<semaphore_mem>>) src(%arg8 : memref<32x128xf32, #tpu.memory_space<vmem>>) dst(%dma_wait3A_35 : memref<32x128xf32, #tpu.memory_space<hbm>>)
      tpu.yield
    }) : () -> ()
    return
  }
}

module attributes {stable_mosaic.version = 14 : i64} {
  func.func @body(%arg0: memref<1024x128xf32, #tpu.memory_space<vmem>>, %arg1: memref<128x256xf32, #tpu.memory_space<vmem>>, %arg2: memref<1x256xf32, #tpu.memory_space<vmem>>, %arg3: memref<1x256xf32, #tpu.memory_space<vmem>>, %arg4: memref<1x256xf32, #tpu.memory_space<vmem>>, %arg5: memref<1024x256xf32, #tpu.memory_space<vmem>>) attributes {dimension_semantics = [], scalar_prefetch = 0 : i64, scratch_operands = 0 : i64, tpu.core_type = #tpu.core_type<tc>} {
    %get3A = arith.constant 0 : index
    %get3A_0 = arith.constant 0 : index
    %get3A_1 = vector.load %arg0[%get3A, %get3A_0] : memref<1024x128xf32, #tpu.memory_space<vmem>>, vector<1024x128xf32>
    %get3A_2 = arith.constant 0 : index
    %get3A_3 = arith.constant 0 : index
    %get3A_4 = vector.load %arg1[%get3A_2, %get3A_3] : memref<128x256xf32, #tpu.memory_space<vmem>>, vector<128x256xf32>
    %dot_general3A = arith.constant dense<0.000000e+00> : vector<1024x256xf32>
    %dot_general3A_5 = tpu.matmul %get3A_1, %get3A_4, %dot_general3A {dimension_numbers = #tpu.dot_dimension_numbers<[1], [0], [0], [1], [0, 0, 1, 1], [], []>, transpose_lhs_hint = false} : vector<1024x128xf32>, vector<128x256xf32>, vector<1024x256xf32> -> vector<1024x256xf32>
    %get3A_6 = arith.constant 0 : index
    %get3A_7 = arith.constant 0 : index
    %get3A_8 = vector.load %arg2[%get3A_6, %get3A_7] : memref<1x256xf32, #tpu.memory_space<vmem>>, vector<1x256xf32>
    %add3A = vector.broadcast %get3A_8 : vector<1x256xf32> to vector<1024x256xf32>
    %add3A_9 = arith.addf %dot_general3A_5, %add3A : vector<1024x256xf32>
    %reduce_sum3A = arith.constant dense<0.000000e+00> : vector<1024xf32>
    %reduce_sum3A_10 = vector.multi_reduction <add>, %add3A_9, %reduce_sum3A [1] : vector<1024x256xf32> to vector<1024xf32>
    %broadcast_in_dim3A = vector.shape_cast %reduce_sum3A_10 : vector<1024xf32> to vector<1024x1xf32>
    %div3A = arith.constant 2.560000e+02 : f32
    %div3A_11 = vector.broadcast %div3A : f32 to vector<1024x1xf32>
    %div3A_12 = arith.divf %broadcast_in_dim3A, %div3A_11 : vector<1024x1xf32>
    %sub3A = vector.broadcast %div3A_12 : vector<1024x1xf32> to vector<1024x256xf32>
    %sub3A_13 = arith.subf %add3A_9, %sub3A : vector<1024x256xf32>
    %mul3A = arith.mulf %sub3A_13, %sub3A_13 : vector<1024x256xf32>
    %reduce_sum3A_14 = arith.constant dense<0.000000e+00> : vector<1024xf32>
    %reduce_sum3A_15 = vector.multi_reduction <add>, %mul3A, %reduce_sum3A_14 [1] : vector<1024x256xf32> to vector<1024xf32>
    %broadcast_in_dim3A_16 = vector.shape_cast %reduce_sum3A_15 : vector<1024xf32> to vector<1024x1xf32>
    %div3A_17 = arith.constant 2.560000e+02 : f32
    %div3A_18 = vector.broadcast %div3A_17 : f32 to vector<1024x1xf32>
    %div3A_19 = arith.divf %broadcast_in_dim3A_16, %div3A_18 : vector<1024x1xf32>
    %add3A_20 = arith.constant 9.99999974E-6 : f32
    %add3A_21 = vector.broadcast %add3A_20 : f32 to vector<1024x1xf32>
    %add3A_22 = arith.addf %div3A_19, %add3A_21 : vector<1024x1xf32>
    %rsqrt3A = math.rsqrt %add3A_22 : vector<1024x1xf32>
    %mul3A_23 = vector.broadcast %rsqrt3A : vector<1024x1xf32> to vector<1024x256xf32>
    %mul3A_24 = arith.mulf %sub3A_13, %mul3A_23 : vector<1024x256xf32>
    %get3A_25 = arith.constant 0 : index
    %get3A_26 = arith.constant 0 : index
    %get3A_27 = vector.load %arg3[%get3A_25, %get3A_26] : memref<1x256xf32, #tpu.memory_space<vmem>>, vector<1x256xf32>
    %mul3A_28 = vector.broadcast %get3A_27 : vector<1x256xf32> to vector<1024x256xf32>
    %mul3A_29 = arith.mulf %mul3A_24, %mul3A_28 : vector<1024x256xf32>
    %get3A_30 = arith.constant 0 : index
    %get3A_31 = arith.constant 0 : index
    %get3A_32 = vector.load %arg4[%get3A_30, %get3A_31] : memref<1x256xf32, #tpu.memory_space<vmem>>, vector<1x256xf32>
    %add3A_33 = vector.broadcast %get3A_32 : vector<1x256xf32> to vector<1024x256xf32>
    %add3A_34 = arith.addf %mul3A_29, %add3A_33 : vector<1024x256xf32>
    %max3A = arith.constant 0.000000e+00 : f32
    %max3A_35 = vector.broadcast %max3A : f32 to vector<1024x256xf32>
    %max3A_36 = arith.maximumf %add3A_34, %max3A_35 : vector<1024x256xf32>
    %swap3A = arith.constant 0 : index
    %swap3A_37 = arith.constant 0 : index
    %swap3A_38 = vector.load %arg5[%swap3A, %swap3A_37] : memref<1024x256xf32, #tpu.memory_space<vmem>>, vector<1024x256xf32>
    tpu.vector_store %arg5[%swap3A, %swap3A_37], %max3A_36 {strides = array<i32>} : memref<1024x256xf32, #tpu.memory_space<vmem>>, vector<1024x256xf32>,
    return
  }
}

</mosaic_0001>

<sc_bundles>
// kernel: kernel.4.cloned.1.call-start
scs
__scs_entry_jumppad:
0x0: {  	(pc) =	sbr.rel $0x88, $3  }
0x1: {  	(tag) =	ssettag $0x0;
	lr =	simm.s32 $0x1  }
0x2: {  	[smem:$0x3F9B] =	sst lr;
	_ =	strace $0xD0000000  }
0x3: {  	_ = 	snop  }
0x4: {  	_ = 	snop  }
0x5: {  	_ = 	snop  }
0x6: {  	_ = 	snop  }
0x7: {  	_ = 	snop  }
__scs_overlays_trampoline_lowered:
0x8: {  	[smem:$0x3FAA] =	sst s0  }
0x9: {  	[smem:$0x3FAB] =	sst s1  }
0xa: {  	[smem:$0x3FAC] =	sst s2  }
0xb: {  	[smem:$0x3FAD] =	sst s3  }
0xc: {  	[smem:$0x3FAE] =	sst s4  }
0xd: {  	[smem:$0x3FAF] =	sst s5  }
0xe: {  	[smem:$0x3FB0] =	sst s6  }
0xf: {  	[smem:$0x3FB1] =	sst s7  }
0x10: {  	[smem:$0x3FB2] =	sst s8  }
0x11: {  	[smem:$0x3FB3] =	sst s9;
	s0 =	simm.s32 @!p0 $0x0  }
0x12: {  	s1 =	sld [smem:$0x3F99];
	s0 =	simm.s32 @p0 $0x1  }
0x13: {  	[smem:$0x3FB4] =	sst s0;
	s0 =	simm.s32 @!p1 $0x0  }
0x14: {  	s2 =	sld [smem:$0x3F98];
	s0 =	simm.s32 @p1 $0x1  }
0x15: {  	[smem:$0x3FB5] =	sst s0;
	s0 =	simm.s32 @!p2 $0x0  }
0x16: {  	s3 =	sld [smem:$0x3FDB];
	s0 =	simm.s32 @p2 $0x1  }
0x17: {  	s4 =	simm.s32 $0x1BF5;
	[smem:$0x3FB7] =	sst s0  }
0x18: {  	s0 =	sld [smem:$0x3F9A];
	_ =	swait.ge [sflag:s4], $0x0  }
0x19: {  	s7 =	sld [smem:$0x3F9B]  }
0x1a: {  	s8 =	sadd.s32 $0xFFFFE003, lr  }
0x1b: {  	s9 =	sadd.s32 $0xFFFFFEF7, lr;
	s5 =	simm.s32 $0xFFFFFFFF;
	p2 =	slt.u32 s8, $0xFFFFF086  }
0x1c: {  	p1 =	slt.u32 s9, $0xF7A;
	s5 =	simm.s32 @!p2 $0x0  }
0x1d: {  	s5 =	simm.s32 @p1 $0x1;
	p0 =	seq.s32 s7, s2  }
0x1e: {  	s7 =	smul.u32 @!p0 $0xF7A, s2;
	p2 =	seq.s32 @!p0 s5, $0x0  }
0x1f: {  	s9 =	smul.u32 $0xF7A, s1;
	s8 =	simm.s32 @!p0 $0x1BF5;
	p2 =	por !p2, p0  }
0x20: {  	[sflag:s8] =	ssyncset.s32 @!p0 $0xFFFFF086;
	s6 =	sadd.s32 @!p0 s3, s7;
	s7 =	simm.s32 @!p0 $0x108  }
0x21: {  	s3 =	sadd.s32 s3, s9;
	s6 =	sadd.s32 @!p0 $0x88, s6;
	s7 =	simm.s32 @p2 $0x1082  }
0x22: {  	[simem:s7], [sflag:s8] =	dma.local @!p0 [hbm:s6], $0xF7A  }
0x23: {  	s9 =	sor.u32 $0xD0000000, s2;
	s6 =	simm.s32 $0x108;
	_ =	swait.ge @!p0 [sflag:s8], $0x0  }
0x24: {  	s3 =	sadd.s32 $0x88, s3;
	s6 =	simm.s32 @!p1 $0x1082;
	[sflag:s4] =	ssyncset.s32 $0xFFFFF086  }
0x25: {  	[simem:s6], [sflag:s4] =	dma.local [hbm:s3], $0xF7A  }
0x26: {  	[smem:$0x3F9B] =	sst s1;
	(tag) =	ssettag s2;
	_ =	strace s9  }
0x27: {  	s1 =	sld [smem:$0x3FAB]  }
0x28: {  	s2 =	sld [smem:$0x3FAC]  }
0x29: {  	s4 =	sld [smem:$0x3FAE]  }
0x2a: {  	p0 =	seq.s32 s5, $0x0;
	s5 =	sld [smem:$0x3FAF]  }
0x2b: {  	s6 =	sld [smem:$0x3FB0]  }
0x2c: {  	s7 =	sld [smem:$0x3FB1]  }
0x2d: {  	s3 =	simm.s32 $0x108;
	s8 =	sld [smem:$0x3FB2]  }
0x2e: {  	s3 =	simm.s32 @!p0 $0x1082;
	s9 =	sld [smem:$0x3FB3]  }
0x2f: {  	lr =	sadd.s32 s0, s3;
	s0 =	sld [smem:$0x3FAA]  }
0x30: {  	s3 =	sld [smem:$0x3FAD]  }
0x31: {  	[smem:$0x3FB6] =	sst s10  }
0x32: {  	s10 =	sld [smem:$0x3FB4];
	_ =	sdelay $0x3  }
0x33: {  	p0 =	seq.s32 s10, $0x1;
	s10 =	sld [smem:$0x3FB6];
	_ =	sdelay $0x3  }
0x34: {  	[smem:$0x3FB6] =	sst s10  }
0x35: {  	s10 =	sld [smem:$0x3FB5];
	_ =	sdelay $0x3  }
0x36: {  	p1 =	seq.s32 s10, $0x1;
	s10 =	sld [smem:$0x3FB6];
	_ =	sdelay $0x3  }
0x37: {  	[smem:$0x3FB6] =	sst s10  }
0x38: {  	s10 =	sld [smem:$0x3FB7]  }
0x39: {  	_ = 	snop;
	(pc) =	sbr.ind lr, $3  }
0x3a: {  	_ = 	snop  }
0x3b: {  	_ = 	snop  }
0x3c: {  	p2 =	seq.s32 s10, $0x1;
	s10 =	sld [smem:$0x3FB6]  }
0x3d: {  	_ =	shalt  }
0x3e: {  	_ =	shalt  }
0x3f: {  	_ =	shalt  }
0x40: {  	_ =	shalt  }
0x41: {  	_ =	shalt  }
0x42: {  	_ =	shalt  }
0x43: {  	_ =	shalt  }
0x44: {  	_ =	shalt  }
0x45: {  	_ =	shalt  }
0x46: {  	_ =	shalt  }
0x47: {  	_ =	shalt  }
0x48: {  	_ =	shalt  }
0x49: {  	_ =	shalt  }
0x4a: {  	_ =	shalt  }
0x4b: {  	_ =	shalt  }
0x4c: {  	_ =	shalt  }
0x4d: {  	_ =	shalt  }
0x4e: {  	_ =	shalt  }
0x4f: {  	_ =	shalt  }
0x50: {  	_ =	shalt  }
0x51: {  	_ =	shalt  }
0x52: {  	_ =	shalt  }
0x53: {  	_ =	shalt  }
0x54: {  	_ =	shalt  }
0x55: {  	_ =	shalt  }
0x56: {  	_ =	shalt  }
0x57: {  	_ =	shalt  }
0x58: {  	_ =	shalt  }
0x59: {  	_ =	shalt  }
0x5a: {  	_ =	shalt  }
0x5b: {  	_ =	shalt  }
0x5c: {  	_ =	shalt  }
0x5d: {  	_ =	shalt  }
0x5e: {  	_ =	shalt  }
0x5f: {  	_ =	shalt  }
0x60: {  	_ =	shalt  }
0x61: {  	_ =	shalt  }
0x62: {  	_ =	shalt  }
0x63: {  	_ =	shalt  }
0x64: {  	_ =	shalt  }
0x65: {  	_ =	shalt  }
0x66: {  	_ =	shalt  }
0x67: {  	_ =	shalt  }
0x68: {  	_ =	shalt  }
0x69: {  	_ =	shalt  }
0x6a: {  	_ =	shalt  }
0x6b: {  	_ =	shalt  }
0x6c: {  	_ =	shalt  }
0x6d: {  	_ =	shalt  }
0x6e: {  	_ =	shalt  }
0x6f: {  	_ =	shalt  }
0x70: {  	_ =	shalt  }
0x71: {  	_ =	shalt  }
0x72: {  	_ =	shalt  }
0x73: {  	_ =	shalt  }
0x74: {  	_ =	shalt  }
0x75: {  	_ =	shalt  }
0x76: {  	_ =	shalt  }
0x77: {  	_ =	shalt  }
0x78: {  	_ =	shalt  }
0x79: {  	_ =	shalt  }
0x7a: {  	_ =	shalt  }
0x7b: {  	_ =	shalt  }
0x7c: {  	_ =	shalt  }
0x7d: {  	_ =	shalt  }
0x7e: {  	_ =	shalt  }
0x7f: {  	_ =	shalt  }
0x80: {  	_ =	shalt  }
0x81: {  	_ =	shalt  }
0x82: {  	_ =	shalt  }
0x83: {  	_ =	shalt  }
0x84: {  	_ =	shalt  }
0x85: {  	_ =	shalt  }
0x86: {  	_ =	shalt  }
0x87: {  	_ =	shalt  }
.Lfunc_end0:
.L_simem_size_0:
called_computation_lowered:
.L_overlay_start_0:
0x88: {  	s2 =	sld [smem:$0x3FD9]  }
0x89: {  	s3 =	sld [smem:$0x3FFE];
	_ =	sdelay $0x1  }
0x8a: {  	s1 =	srdreg.scid  }
0x8b: {  	s0 =	sand.u32 $0x1, s1  }
0x8c: {  	s17 =	sshll.u32 s0, $0xA;
	s2 =	sadd.s32 s3, s2  }
0x8d: {  	s2 =	sadd.s32 s2, s17  }
0x8e: {  	[smem:$0x3FC2] =	sst s2  }
0x8f: {  	_ = 	snop  }
0x90: {  	s2 =	sld [smem:$0x3FC9]  }
0x91: {  	s18 =	sld [smem:$0x3FD0];
	(tm) =	ssettm $0x1  }
0x92: {  	s4 =	sld [smem:$0x3FFB];
	_ =	sdelay $0x3  }
0x93: {  	_ =	strace s4  }
0x94: {  	s4 =	sld [smem:$0x3FFC];
	_ =	sdelay $0x3  }
0x95: {  	_ =	strace s4  }
0x96: {  	s4 =	sld [smem:$0x3FFD];
	_ =	sdelay $0x3  }
0x97: {  	_ =	strace s4  }
0x98: {  	_ =	strace $0x8FFFFFFF  }
0x99: {  	s19 =	sld [smem:$0x3FDB];
	_ =	sdelay $0x1  }
0x9a: {  	s5 =	simm.s32 $_scs_section_size  }
0x9b: {  	s6 =	simm.s32 $_size__tile_overlayer_lowered;
	s7 =	simm.s32 $_tile_overlayer_lowered  }
0x9c: {  	s22 =	simm.s32 $0x1BFF;
	s21 =	sshll.u32 s7, $0x1;
	s4 =	sadd.s32 s5, s19  }
0x9d: {  	s8 =	simm.s32 $0x0;
	s20 =	sshll.u32 s6, $0x1;
	s6 =	sadd.s32 s21, s4  }
0x9e: {  	[timem:s8], [sflag:s22] =	dma.local [hbm:s6], s20  }
0x9f: {  	_ =	swait.ge [sflag:s22], s20  }
0xa0: {  	s5 =	ssub.s32 $0x0, s20;
	[sflag:s22] =	ssyncset.done $0x0  }
0xa1: {  	[sflag:s22] =	ssyncadd.s32 s5;
	_ =	sdelay $0x1  }
0xa2: {  	s23 =	simm.s32 $0x1B8B  }
0xa3: {  	_ =	swait.ge [sflag:s23], $0x1  }
0xa4: {  	[sflag:s23] =	ssyncset.done $0x0  }
0xa5: {  	s25 =	simm.s32 $0x1B8E;
	s24 =	sld [smem:$0x3FFE];
	[sflag:s23] =	ssyncadd.s32 $0xFFFFFFFF  }
0xa6: {  	s26 =	simm.s32 $execute0_lowered;
	[smem:$0x3FD2] =	sst s25  }
0xa7: {  	s6 =	sshll.u32 s26, $0x1;
	_ =	strace $0x80000046;
	[dreg:$0x1] =	wrdreg $0xFFFFFFFF  }
0xa8: {  	s28 =	simm.s32 $_size_execute0_lowered;
	s4 =	sadd.s32 s4, s6;
	[dreg:$0x0] =	wrdreg $0x0  }
0xa9: {  	s6 =	sshll.u32 s28, $0x1;
	[dreg:$0x2] =	wrdreg s4  }
0xaa: {  	[dreg:$0x3] =	wrdreg s6  }
0xab: {  	[dreg:$0x4] =	wrdreg $0xC0  }
0xac: {  	_ =	task [dreg:s8], $0x5FFFF  }
0xad: {  	[dreg:$0x1] =	wrdreg $0xFFFFFFFF  }
0xae: {  	[dreg:$0x0] =	wrdreg $0x60  }
0xaf: {  	[dreg:$0x2] =	wrdreg s2  }
0xb0: {  	[dreg:$0x3] =	wrdreg s18  }
0xb1: {  	[dreg:$0x4] =	wrdreg s24  }
0xb2: {  	[dreg:$0x5] =	wrdreg $0x9  }
0xb3: {  	_ =	task.clear_ibuf [dreg:s8], $0x6FFFF;
	_ =	strace $0x90000046  }
0xb4: {  	s29 =	simm.s32 $0x9;
	_ =	strace $0x80000048  }
0xb5: {  	_ =	swait.ge [sflag:s29], $0x1  }
0xb6: {  	[sflag:s29] =	ssyncadd.s32 $0xFFFFFFFF  }
0xb7: {  	_ =	strace $0x90000048  }
0xb8: {  	_ =	sfence  }
0xb9: {  	s30 =	sld [smem:$0x0];
	_ =	sdelay $0x2  }
0xba: {  	s31 =	sshll.u32 s1, $0xD;
	s1 =	sshrl.u32 s1, $0x2  }
0xbb: {  	s3 =	sand.u32 $0x4000, s31;
	s1 =	sadd.s32 s1, s30  }
0xbc: {  	s0 =	sor.u32 s3, s0;
	s1 =	sshll.u32 s1, $0x11  }
0xbd: {  	s0 =	sor.u32 s1, s0  }
0xbe: {  	s0 =	sadd.s32 $0x8F2B, s0  }
0xbf: {  	[sflag:s0] =	ssyncadd.remote.s32 $0x1  }
0xc0: {  	_ =	sfence.sel $0xFFFF  }
0xc1: {  	[dreg:$0x0] =	wrdreg $0xFFFFFFFF;
	(pc) =	sbr.abs _section_cstart, $3  }
0xc2: {  	[dreg:$0x1] =	wrdreg $0xFFFFFFFF  }
0xc3: {  	_ =	task.clear_ibuf [dreg:s8], $0x2FFFF;
	_ =	strace $0x9FFFFFFF  }
0xc4: {  	(tm) =	ssettm $0x7FFFFFFF  }
0xc5: {  	_ =	shalt  }
tec
execute0_lowered:
.L_overlay_start_1:
0x0: {  	(tag) =	ssettag $0x1  }
0x1: {  	s1 =	rddreg [dreg:$0x0]  }
0x2: {  	s4 =	rddreg [dreg:$0x1]  }
0x3: {  	s5 =	rddreg [dreg:$0x2]  }
0x4: {  	s0 =	rddreg [dreg:$0x3];
	s6 =	srdreg.scid  }
0x5: {  	s2 =	stileid.u32;
	s3 =	simm.s32 $0x0;
	s9 =	simm.s32 $0x2000  }
0x6: {  	s10 =	simm.s32 $0x80;
	s11 =	simm.s32 $0x5200;
	s12 =	simm.s32 $0x8400  }
0x7: {  	s13 =	simm.s32 $0xB600;
	s14 =	simm.s32 $0x1;
	s15 =	simm.s32 $0x2  }
0x8: {  	s16 =	simm.s32 $0xE800;
	s6 =	sand.u32 $0x1, s6;
	s7 =	sshll.u32 s2, $0x1  }
0x9: {  	s17 =	simm.s32 $0x0;
	[smem:$0x7FF] =	sst s3;
	s7 =	sor.u32 s6, s7  }
0xa: {  	_ =	strace $0x80000047;
	s6 =	ssub.s32 $0x2, s6;
	s8 =	sshll.u32 s7, $0x9  }
0xb: {  	s31 =	sshrl.u32 s6, $0x1;
	s7 =	sshll.u32 s7, $0xA;
	s5 =	sadd.s32 s8, s5  }
0xc: {  	s6 =	ssub.s32 s6, s31;
	s4 =	sadd.s32 s4, s7;
	s7 =	simm.s32 $0x3  }
0xd: {  	s8 =	simm.s32 $0x64;
	s5 =	sadd.s32 $0xE00, s5;
	s6 =	smax.u32 s6, $0x1  }
.LBB2_1:
0xe: {  	[tilespmem:s3], [sflag:$0x3] =	stream.linear.gather [hbm4b:s4+s3], $0x2000, $0x38;
	[tilespmem:$0xF800] =	vst v63  }
0xf: {  	_ =	swait.ge [sflag:s7], $0x2000  }
0x10: {  	[sflag:s7] =	ssyncset.done $0x0  }
0x11: {  	[sflag:s7] =	ssyncadd.s32 $0xFFFFE000  }
0x12: {  	[tilespmem:s9], [sflag:$0x1] =	stream.indirect.gather [hbm4b:s1+s8], $0x80, s3, s8, $0xb8;
	[tilespmem:$0xF800] =	vst v63  }
0x13: {  	s18 =	simm.s32 $0x0  }
0x14: {  	[tilespmem:s11], [sflag:$0x1] =	stream.indirect.gather [hbm4b:s1+s8], $0x80, s10, s8, $0xb8;
	[tilespmem:$0xF800] =	vst v63  }
.LBB2_2:
0x15: {  	s19 =	sshllo.u32 s18, $0x1  }
0x16: {  	s20 =	sshll.u32 s19, $0x8  }
0x17: {  	s20 =	sand.u32 $0x3FFFFF00, s20  }
0x18: {  	[tilespmem:s12], [sflag:$0x2] =	stream.indirect.gather [hbm4b:s1+s8], $0x80, s20, s8, $0xb8;
	[tilespmem:$0xF800] =	vst v63  }
0x19: {  	s20 =	sor.u32 $0x80, s20  }
0x1a: {  	[tilespmem:s13], [sflag:$0x2] =	stream.indirect.gather [hbm4b:s1+s8], $0x80, s20, s8, $0xb8;
	[tilespmem:$0xF800] =	vst v63  }
0x1b: {  	_ =	swait.ge [sflag:s14], $0x3200  }
0x1c: {  	[sflag:s14] =	ssyncset.done $0x0  }
0x1d: {  	[sflag:s14] =	ssyncadd.s32 $0xFFFFCE00  }
0x1e: {  	_ =	swait.ge [sflag:s14], $0x3200  }
0x1f: {  	[sflag:s14] =	ssyncset.done $0x0  }
0x20: {  	s21 =	simm.s32 $0x2200;
	[sflag:s14] =	ssyncadd.s32 $0xFFFFCE00  }
0x21: {  	v8 =	vld [tilespmem:s21+$0x180]  }
0x22: {  	v12 =	vld [tilespmem:s21+$0x190]  }
0x23: {  	v13 =	vld [tilespmem:s21+$0x1A0]  }
0x24: {  	v15 =	vld [tilespmem:s21+$0x1B0]  }
0x25: {  	v16 =	vld [tilespmem:s21+$0x1C0]  }
0x26: {  	v1 =	vld [tilespmem:s21+$0x1D0]  }
0x27: {  	v0 =	vld [tilespmem:s21+$0x1E0]  }
0x28: {  	v9 =	vld [tilespmem:s21+$0x100]  }
0x29: {  	v14 =	vld [tilespmem:s21+$0x110]  }
0x2a: {  	v17 =	vld [tilespmem:s21+$0x120]  }
0x2b: {  	v18 =	vld [tilespmem:s21+$0x130]  }
0x2c: {  	v19 =	vld [tilespmem:s21+$0x140]  }
0x2d: {  	v3 =	vld [tilespmem:s21+$0x150]  }
0x2e: {  	v2 =	vld [tilespmem:s21+$0x160]  }
0x2f: {  	v20 =	vld [tilespmem:s21+$0x80]  }
0x30: {  	v21 =	vld [tilespmem:s21+$0x90]  }
0x31: {  	v22 =	vld [tilespmem:s21+$0xA0]  }
0x32: {  	v23 =	vld [tilespmem:s21+$0xB0]  }
0x33: {  	v24 =	vld [tilespmem:s21+$0xC0]  }
0x34: {  	v5 =	vld [tilespmem:s21+$0xD0]  }
0x35: {  	v4 =	vld [tilespmem:s21+$0xE0]  }
0x36: {  	v25 =	vld [tilespmem:s21+$0x0]  }
0x37: {  	v26 =	vld [tilespmem:s21+$0x10]  }
0x38: {  	v27 =	vld [tilespmem:s21+$0x20]  }
0x39: {  	v28 =	vld [tilespmem:s21+$0x30]  }
0x3a: {  	v29 =	vld [tilespmem:s21+$0x40]  }
0x3b: {  	v7 =	vld [tilespmem:s21+$0x50]  }
0x3c: {  	v6 =	vld [tilespmem:s21+$0x60]  }
0x3d: {  	v30 =	vld [tilespmem:s21+$0xFFFFFF80]  }
0x3e: {  	v31 =	vld [tilespmem:s21+$0xFFFFFF90]  }
0x3f: {  	v32 =	vld [tilespmem:s21+$0xFFFFFFA0]  }
0x40: {  	v33 =	vld [tilespmem:s21+$0xFFFFFFB0]  }
0x41: {  	v34 =	vld [tilespmem:s21+$0xFFFFFFC0]  }
0x42: {  	v10 =	vld [tilespmem:s21+$0xFFFFFFD0]  }
0x43: {  	v11 =	vld [tilespmem:s21+$0xFFFFFFE0]  }
0x44: {  	v35 =	vld [tilespmem:s21+$0xFFFFFF00]  }
0x45: {  	v36 =	vld [tilespmem:s21+$0xFFFFFF10]  }
0x46: {  	v37 =	vld [tilespmem:s21+$0xFFFFFF20]  }
0x47: {  	v38 =	vld [tilespmem:s21+$0xFFFFFE80]  }
0x48: {  	v39 =	vld [tilespmem:s21+$0xFFFFFE00]  }
0x49: {  	v40 =	vld [tilespmem:s21+$0xFFFFFE10]  }
0x4a: {  	v41 =	vld [tilespmem:s21+$0xFFFFFE90]  }
0x4b: {  	v42 =	vld [tilespmem:s21+$0xFFFFFF30]  }
0x4c: {  	v43 =	vld [tilespmem:s21+$0xFFFFFF40]  }
0x4d: {  	v44 =	vimm.f32 $-Inf;
	v45 =	vld [tilespmem:s21+$0xFFFFFEA0]  }
0x4e: {  	v46 =	vld [tilespmem:s21+$0xFFFFFEB0];
	v39 =	vmax.f32 v44, v39  }
0x4f: {  	v47 =	vld [tilespmem:s21+$0xFFFFFE20];
	v40 =	vmax.f32 v44, v40;
	v38 =	vmax.f32 v39, v38  }
0x50: {  	v56 =	vld [tilespmem:s21+$0xFFFFFE40];
	v54 =	vmax.f32 v40, v41;
	v35 =	vmax.f32 v38, v35  }
0x51: {  	v55 =	vld [tilespmem:s21+$0xFFFFFE30];
	v36 =	vmax.f32 v54, v36;
	v30 =	vmax.f32 v35, v30  }
0x52: {  	v57 =	vld [tilespmem:s21+$0xFFFFFEC0];
	v31 =	vmax.f32 v36, v31;
	v25 =	vmax.f32 v30, v25  }
0x53: {  	v58 =	vld [tilespmem:s21+$0xFFFFFF50];
	v26 =	vmax.f32 v31, v26;
	v20 =	vmax.f32 v25, v20  }
0x54: {  	v59 =	vld [tilespmem:s21+$0xFFFFFEE0];
	v21 =	vmax.f32 v26, v21;
	v9 =	vmax.f32 v20, v9  }
0x55: {  	v60 =	vld [tilespmem:s21+$0xFFFFFE50];
	v14 =	vmax.f32 v21, v14;
	v21 =	vmax.f32 v44, v56;
	v9 =	vmax.f32 v9, v8  }
0x56: {  	v61 =	vld [tilespmem:s21+$0xFFFFFE60];
	v8 =	vmax.f32 v14, v12;
	v12 =	vmax.f32 v44, v47;
	v14 =	vmax.f32 v44, v55  }
0x57: {  	v62 =	vld [tilespmem:s21+$0xFFFFFE70];
	v21 =	vmax.f32 v21, v57;
	v12 =	vmax.f32 v12, v45;
	v14 =	vmax.f32 v14, v46  }
0x58: {  	v63 =	vld [tilespmem:s21+$0xFFFFFEF0];
	v21 =	vmax.f32 v21, v43;
	v12 =	vmax.f32 v12, v37;
	v14 =	vmax.f32 v14, v42  }
0x59: {  	v26 =	vld [tilespmem:s21+$0xFFFFFF60];
	v21 =	vmax.f32 v21, v34;
	v12 =	vmax.f32 v12, v32;
	v14 =	vmax.f32 v14, v33  }
0x5a: {  	v20 =	vld [tilespmem:s21+$0xFFFFFED0];
	v21 =	vmax.f32 v21, v29;
	v12 =	vmax.f32 v12, v27;
	v14 =	vmax.f32 v14, v28  }
0x5b: {  	v27 =	vld [tilespmem:s21+$0xFFFFFF70];
	v21 =	vmax.f32 v21, v24;
	v12 =	vmax.f32 v12, v22;
	v14 =	vmax.f32 v14, v23  }
0x5c: {  	v25 =	vld [tilespmem:s21+$0xFFFFFFF0];
	v12 =	vmax.f32 v12, v17;
	v17 =	vmax.f32 v14, v18;
	v18 =	vmax.f32 v21, v19  }
0x5d: {  	v21 =	vld [tilespmem:s21+$0x70];
	v14 =	vmax.f32 v12, v13;
	v13 =	vmax.f32 v17, v15;
	v12 =	vmax.f32 v18, v16  }
0x5e: {  	v15 =	vmax.f32 v44, v60;
	v17 =	vmax.f32 v44, v61;
	v18 =	vmax.f32 v44, v62;
	v16 =	vld [tilespmem:s21+$0xF0]  }
0x5f: {  	v15 =	vmax.f32 v15, v20;
	v19 =	vmax.f32 v17, v59;
	v22 =	vmax.f32 v18, v63;
	v17 =	vld [tilespmem:s21+$0x170]  }
0x60: {  	s20 =	simm.s32 $0x0;
	v20 =	vmax.f32 v15, v58;
	v18 =	vmax.f32 v19, v26;
	v15 =	vmax.f32 v22, v27;
	v19 =	vld [tilespmem:s21+$0x1F0];
	s21 =	simm.s32 $0x2600  }
.LBB2_3:
0x61: {  	v24 =	vld [tilespmem:s21+$0x180];
	v10 =	vmax.f32 v20, v10;
	v11 =	vmax.f32 v18, v11;
	v15 =	vmax.f32 v15, v25  }
0x62: {  	v25 =	vld [tilespmem:s21+$0x190];
	v7 =	vmax.f32 v10, v7;
	v6 =	vmax.f32 v11, v6;
	v10 =	vmax.f32 v15, v21  }
0x63: {  	v15 =	vld [tilespmem:s21+$0x1A0];
	v5 =	vmax.f32 v7, v5;
	v4 =	vmax.f32 v6, v4;
	v6 =	vmax.f32 v10, v16  }
0x64: {  	v16 =	vld [tilespmem:s21+$0x1B0];
	v3 =	vmax.f32 v5, v3;
	v2 =	vmax.f32 v4, v2;
	v4 =	vmax.f32 v6, v17  }
0x65: {  	v20 =	vld [tilespmem:s21+$0x1C0];
	v17 =	vmax.f32 v3, v1;
	v18 =	vmax.f32 v2, v0;
	v19 =	vmax.f32 v4, v19  }
0x66: {  	v1 =	vld [tilespmem:s21+$0x1D0]  }
0x67: {  	v0 =	vld [tilespmem:s21+$0x1E0]  }
0x68: {  	v26 =	vld [tilespmem:s21+$0x100]  }
0x69: {  	v27 =	vld [tilespmem:s21+$0x110]  }
0x6a: {  	v21 =	vld [tilespmem:s21+$0x120]  }
0x6b: {  	v22 =	vld [tilespmem:s21+$0x130]  }
0x6c: {  	v23 =	vld [tilespmem:s21+$0x140]  }
0x6d: {  	v3 =	vld [tilespmem:s21+$0x150]  }
0x6e: {  	v2 =	vld [tilespmem:s21+$0x160]  }
0x6f: {  	v28 =	vld [tilespmem:s21+$0x80]  }
0x70: {  	v29 =	vld [tilespmem:s21+$0x90]  }
0x71: {  	v30 =	vld [tilespmem:s21+$0xA0]  }
0x72: {  	v31 =	vld [tilespmem:s21+$0xB0]  }
0x73: {  	v32 =	vld [tilespmem:s21+$0xC0]  }
0x74: {  	v5 =	vld [tilespmem:s21+$0xD0]  }
0x75: {  	v4 =	vld [tilespmem:s21+$0xE0]  }
0x76: {  	v33 =	vld [tilespmem:s21+$0x0]  }
0x77: {  	v34 =	vld [tilespmem:s21+$0x10]  }
0x78: {  	v35 =	vld [tilespmem:s21+$0x20]  }
0x79: {  	v36 =	vld [tilespmem:s21+$0x30]  }
0x7a: {  	v37 =	vld [tilespmem:s21+$0x40]  }
0x7b: {  	v7 =	vld [tilespmem:s21+$0x50]  }
0x7c: {  	v6 =	vld [tilespmem:s21+$0x60]  }
0x7d: {  	v38 =	vld [tilespmem:s21+$0xFFFFFF80]  }
0x7e: {  	v39 =	vld [tilespmem:s21+$0xFFFFFF90]  }
0x7f: {  	v40 =	vld [tilespmem:s21+$0xFFFFFFA0]  }
0x80: {  	v41 =	vld [tilespmem:s21+$0xFFFFFFB0]  }
0x81: {  	v42 =	vld [tilespmem:s21+$0xFFFFFFC0]  }
0x82: {  	v10 =	vld [tilespmem:s21+$0xFFFFFFD0]  }
0x83: {  	v11 =	vld [tilespmem:s21+$0xFFFFFFE0]  }
0x84: {  	v43 =	vld [tilespmem:s21+$0xFFFFFF00]  }
0x85: {  	v44 =	vld [tilespmem:s21+$0xFFFFFF10]  }
0x86: {  	v45 =	vld [tilespmem:s21+$0xFFFFFF20]  }
0x87: {  	v46 =	vld [tilespmem:s21+$0xFFFFFE80]  }
0x88: {  	v47 =	vld [tilespmem:s21+$0xFFFFFE00]  }
0x89: {  	v48 =	vld [tilespmem:s21+$0xFFFFFE10]  }
0x8a: {  	v49 =	vld [tilespmem:s21+$0xFFFFFE90]  }
0x8b: {  	v50 =	vld [tilespmem:s21+$0xFFFFFF30]  }
0x8c: {  	v51 =	vld [tilespmem:s21+$0xFFFFFF40]  }
0x8d: {  	v52 =	vld [tilespmem:s21+$0xFFFFFEA0]  }
0x8e: {  	v9 =	vmax.f32 v9, v47;
	v8 =	vmax.f32 v8, v48;
	v47 =	vld [tilespmem:s21+$0xFFFFFEB0]  }
0x8f: {  	v9 =	vmax.f32 v9, v46;
	v48 =	vld [tilespmem:s21+$0xFFFFFE20];
	v8 =	vmax.f32 v8, v49  }
0x90: {  	v9 =	vmax.f32 v9, v43;
	v46 =	vld [tilespmem:s21+$0xFFFFFE30];
	v8 =	vmax.f32 v8, v44  }
0x91: {  	v9 =	vmax.f32 v9, v38;
	v43 =	vld [tilespmem:s21+$0xFFFFFE40];
	v8 =	vmax.f32 v8, v39  }
0x92: {  	v9 =	vmax.f32 v9, v33;
	v38 =	vld [tilespmem:s21+$0xFFFFFEC0];
	v8 =	vmax.f32 v8, v34  }
0x93: {  	v9 =	vmax.f32 v9, v28;
	v33 =	vld [tilespmem:s21+$0xFFFFFF50];
	v8 =	vmax.f32 v8, v29  }
0x94: {  	v9 =	vmax.f32 v9, v26;
	v28 =	vld [tilespmem:s21+$0xFFFFFF60];
	v8 =	vmax.f32 v8, v27  }
0x95: {  	v9 =	vmax.f32 v9, v24;
	v26 =	vld [tilespmem:s21+$0xFFFFFED0];
	v8 =	vmax.f32 v8, v25  }
0x96: {  	v14 =	vmax.f32 v14, v48;
	v13 =	vmax.f32 v13, v46;
	v12 =	vmax.f32 v12, v43;
	v24 =	vld [tilespmem:s21+$0xFFFFFEE0]  }
0x97: {  	v14 =	vmax.f32 v14, v52;
	v13 =	vmax.f32 v13, v47;
	v27 =	vld [tilespmem:s21+$0xFFFFFE50];
	v12 =	vmax.f32 v12, v38  }
0x98: {  	v14 =	vmax.f32 v14, v45;
	v13 =	vmax.f32 v13, v50;
	v29 =	vld [tilespmem:s21+$0xFFFFFE60];
	v12 =	vmax.f32 v12, v51  }
0x99: {  	s20 =	sadd.s32 $0x8, s20;
	v14 =	vmax.f32 v14, v40;
	v13 =	vmax.f32 v13, v41;
	v34 =	vld [tilespmem:s21+$0xFFFFFE70];
	v12 =	vmax.f32 v12, v42  }
0x9a: {  	p0 =	slt.u32 s20, $0xC0;
	v14 =	vmax.f32 v14, v35;
	v13 =	vmax.f32 v13, v36;
	v38 =	vld [tilespmem:s21+$0xFFFFFEF0];
	v12 =	vmax.f32 v12, v37  }
0x9b: {  	v14 =	vmax.f32 v14, v30;
	v13 =	vmax.f32 v13, v31;
	v35 =	vld [tilespmem:s21+$0xFFFFFF70];
	v12 =	vmax.f32 v12, v32  }
.Ltmp0:
0x9c: {  	v14 =	vmax.f32 v14, v21;
	v13 =	vmax.f32 v13, v22;
	v25 =	vld [tilespmem:s21+$0xFFFFFFF0];
	v12 =	vmax.f32 v12, v23;
	(pc) =	sbr.rel @p0 .LBB2_3-.Ltmp0, $4  }
0x9d: {  	v14 =	vmax.f32 v14, v15;
	v13 =	vmax.f32 v13, v16;
	v21 =	vld [tilespmem:s21+$0x70];
	v12 =	vmax.f32 v12, v20  }
0x9e: {  	v15 =	vmax.f32 v17, v27;
	v17 =	vmax.f32 v18, v29;
	v18 =	vmax.f32 v19, v34;
	v16 =	vld [tilespmem:s21+$0xF0]  }
0x9f: {  	v15 =	vmax.f32 v15, v26;
	v19 =	vmax.f32 v17, v24;
	v22 =	vmax.f32 v18, v38;
	v17 =	vld [tilespmem:s21+$0x170]  }
0xa0: {  	v20 =	vmax.f32 v15, v33;
	v18 =	vmax.f32 v19, v28;
	v15 =	vmax.f32 v22, v35;
	v19 =	vld [tilespmem:s21+$0x1F0];
	s21 =	sadd.s32 $0x400, s21  }
0xa1: {  	s20 =	sshll.u32 s18, $0x8  }
0xa2: {  	s20 =	sand.u32 $0x3FFFFF00, s20  }
0xa3: {  	v10 =	vmax.f32 v20, v10;
	[tilespmem:s20+$0xE800] =	vst v9  }
0xa4: {  	v7 =	vmax.f32 v10, v7;
	v9 =	vmax.f32 v18, v11;
	[tilespmem:s20+$0xE810] =	vst v8  }
0xa5: {  	v8 =	vmax.f32 v15, v25;
	v5 =	vmax.f32 v7, v5;
	[tilespmem:s20+$0xE820] =	vst v14;
	v6 =	vmax.f32 v9, v6  }
0xa6: {  	[tilespmem:s20+$0xE830] =	vst v13;
	v7 =	vmax.f32 v8, v21;
	v3 =	vmax.f32 v5, v3;
	v4 =	vmax.f32 v6, v4  }
0xa7: {  	p0 =	seq.s32 s18, $0xF;
	[tilespmem:s20+$0xE840] =	vst v12;
	v5 =	vmax.f32 v7, v16;
	v1 =	vmax.f32 v3, v1;
	v2 =	vmax.f32 v4, v2  }
0xa8: {  	s21 =	sshll.u32 @!p0 s18, $0x9;
	v3 =	vmax.f32 v5, v17;
	[tilespmem:s20+$0xE850] =	vst v1;
	v0 =	vmax.f32 v2, v0  }
0xa9: {  	s21 =	sand.u32 @!p0 $0x3FFFFE00, s21;
	v1 =	vmax.f32 v3, v19;
	[tilespmem:s20+$0xE860] =	vst v0  }
0xaa: {  	s22 =	simm.s32 @!p0 $0x64;
	s23 =	simm.s32 @!p0 $0x2000;
	[tilespmem:s20+$0xE870] =	vst v1;
	s20 =	sadd.s32 @!p0 $0x200, s21  }
0xab: {  	[tilespmem:s23], [sflag:$0x1] =	stream.indirect.gather @!p0 [hbm4b:s1+s22], $0x80, s20, s22, $0xb8;
	[tilespmem:$0xF800] =	vst v63  }
0xac: {  	s20 =	sadd.s32 @!p0 $0x280, s21;
	s21 =	simm.s32 @!p0 $0x5200  }
0xad: {  	[tilespmem:s21], [sflag:$0x1] =	stream.indirect.gather @!p0 [hbm4b:s1+s22], $0x80, s20, s22, $0xb8;
	[tilespmem:$0xF800] =	vst v63  }
0xae: {  	_ =	swait.ge [sflag:s15], $0x3200  }
0xaf: {  	[sflag:s15] =	ssyncset.done $0x0  }
0xb0: {  	[sflag:s15] =	ssyncadd.s32 $0xFFFFCE00  }
0xb1: {  	_ =	swait.ge [sflag:s15], $0x3200  }
0xb2: {  	[sflag:s15] =	ssyncset.done $0x0  }
0xb3: {  	s31 =	simm.s32 $0x8600;
	[sflag:s15] =	ssyncadd.s32 $0xFFFFCE00  }
0xb4: {  	v8 =	vld [tilespmem:s31+$0x180]  }
0xb5: {  	v12 =	vld [tilespmem:s31+$0x190]  }
0xb6: {  	v13 =	vld [tilespmem:s31+$0x1A0]  }
0xb7: {  	v15 =	vld [tilespmem:s31+$0x1B0]  }
0xb8: {  	v16 =	vld [tilespmem:s31+$0x1C0]  }
0xb9: {  	v1 =	vld [tilespmem:s31+$0x1D0]  }
0xba: {  	v0 =	vld [tilespmem:s31+$0x1E0]  }
0xbb: {  	v9 =	vld [tilespmem:s31+$0x100]  }
0xbc: {  	v14 =	vld [tilespmem:s31+$0x110]  }
0xbd: {  	v17 =	vld [tilespmem:s31+$0x120]  }
0xbe: {  	v18 =	vld [tilespmem:s31+$0x130]  }
0xbf: {  	v19 =	vld [tilespmem:s31+$0x140]  }
0xc0: {  	v3 =	vld [tilespmem:s31+$0x150]  }
0xc1: {  	v2 =	vld [tilespmem:s31+$0x160]  }
0xc2: {  	v20 =	vld [tilespmem:s31+$0x80]  }
0xc3: {  	v21 =	vld [tilespmem:s31+$0x90]  }
0xc4: {  	v22 =	vld [tilespmem:s31+$0xA0]  }
0xc5: {  	v23 =	vld [tilespmem:s31+$0xB0]  }
0xc6: {  	v24 =	vld [tilespmem:s31+$0xC0]  }
0xc7: {  	v5 =	vld [tilespmem:s31+$0xD0]  }
0xc8: {  	v4 =	vld [tilespmem:s31+$0xE0]  }
0xc9: {  	v25 =	vld [tilespmem:s31+$0x0]  }
0xca: {  	v26 =	vld [tilespmem:s31+$0x10]  }
0xcb: {  	v27 =	vld [tilespmem:s31+$0x20]  }
0xcc: {  	v28 =	vld [tilespmem:s31+$0x30]  }
0xcd: {  	v29 =	vld [tilespmem:s31+$0x40]  }
0xce: {  	v7 =	vld [tilespmem:s31+$0x50]  }
0xcf: {  	v6 =	vld [tilespmem:s31+$0x60]  }
0xd0: {  	v30 =	vld [tilespmem:s31+$0xFFFFFF80]  }
0xd1: {  	v31 =	vld [tilespmem:s31+$0xFFFFFF90]  }
0xd2: {  	v32 =	vld [tilespmem:s31+$0xFFFFFFA0]  }
0xd3: {  	v33 =	vld [tilespmem:s31+$0xFFFFFFB0]  }
0xd4: {  	v34 =	vld [tilespmem:s31+$0xFFFFFFC0]  }
0xd5: {  	v10 =	vld [tilespmem:s31+$0xFFFFFFD0]  }
0xd6: {  	v11 =	vld [tilespmem:s31+$0xFFFFFFE0]  }
0xd7: {  	v35 =	vld [tilespmem:s31+$0xFFFFFF00]  }
0xd8: {  	v36 =	vld [tilespmem:s31+$0xFFFFFF10]  }
0xd9: {  	v37 =	vld [tilespmem:s31+$0xFFFFFF20]  }
0xda: {  	v38 =	vld [tilespmem:s31+$0xFFFFFE80]  }
0xdb: {  	v39 =	vld [tilespmem:s31+$0xFFFFFE00]  }
0xdc: {  	v40 =	vld [tilespmem:s31+$0xFFFFFE10]  }
0xdd: {  	v41 =	vld [tilespmem:s31+$0xFFFFFE90]  }
0xde: {  	v42 =	vld [tilespmem:s31+$0xFFFFFF30]  }
0xdf: {  	v43 =	vld [tilespmem:s31+$0xFFFFFF40]  }
0xe0: {  	v44 =	vimm.f32 $-Inf;
	v45 =	vld [tilespmem:s31+$0xFFFFFEA0]  }
0xe1: {  	v46 =	vld [tilespmem:s31+$0xFFFFFEB0];
	v39 =	vmax.f32 v44, v39  }
0xe2: {  	v47 =	vld [tilespmem:s31+$0xFFFFFE20];
	v40 =	vmax.f32 v44, v40;
	v38 =	vmax.f32 v39, v38  }
0xe3: {  	v56 =	vld [tilespmem:s31+$0xFFFFFE40];
	v54 =	vmax.f32 v40, v41;
	v35 =	vmax.f32 v38, v35  }
0xe4: {  	v55 =	vld [tilespmem:s31+$0xFFFFFE30];
	v36 =	vmax.f32 v54, v36;
	v30 =	vmax.f32 v35, v30  }
0xe5: {  	v57 =	vld [tilespmem:s31+$0xFFFFFEC0];
	v31 =	vmax.f32 v36, v31;
	v25 =	vmax.f32 v30, v25  }
0xe6: {  	v58 =	vld [tilespmem:s31+$0xFFFFFF50];
	v26 =	vmax.f32 v31, v26;
	v20 =	vmax.f32 v25, v20  }
0xe7: {  	v59 =	vld [tilespmem:s31+$0xFFFFFEE0];
	v21 =	vmax.f32 v26, v21;
	v9 =	vmax.f32 v20, v9  }
0xe8: {  	v60 =	vld [tilespmem:s31+$0xFFFFFE50];
	v14 =	vmax.f32 v21, v14;
	v21 =	vmax.f32 v44, v56;
	v9 =	vmax.f32 v9, v8  }
0xe9: {  	v61 =	vld [tilespmem:s31+$0xFFFFFE60];
	v8 =	vmax.f32 v14, v12;
	v12 =	vmax.f32 v44, v47;
	v14 =	vmax.f32 v44, v55  }
0xea: {  	v62 =	vld [tilespmem:s31+$0xFFFFFE70];
	v21 =	vmax.f32 v21, v57;
	v12 =	vmax.f32 v12, v45;
	v14 =	vmax.f32 v14, v46  }
0xeb: {  	v63 =	vld [tilespmem:s31+$0xFFFFFEF0];
	v21 =	vmax.f32 v21, v43;
	v12 =	vmax.f32 v12, v37;
	v14 =	vmax.f32 v14, v42  }
0xec: {  	v26 =	vld [tilespmem:s31+$0xFFFFFF60];
	v21 =	vmax.f32 v21, v34;
	v12 =	vmax.f32 v12, v32;
	v14 =	vmax.f32 v14, v33  }
0xed: {  	v20 =	vld [tilespmem:s31+$0xFFFFFED0];
	v21 =	vmax.f32 v21, v29;
	v12 =	vmax.f32 v12, v27;
	v14 =	vmax.f32 v14, v28  }
0xee: {  	v27 =	vld [tilespmem:s31+$0xFFFFFF70];
	v21 =	vmax.f32 v21, v24;
	v12 =	vmax.f32 v12, v22;
	v14 =	vmax.f32 v14, v23  }
0xef: {  	v25 =	vld [tilespmem:s31+$0xFFFFFFF0];
	v12 =	vmax.f32 v12, v17;
	v17 =	vmax.f32 v14, v18;
	v18 =	vmax.f32 v21, v19  }
0xf0: {  	v21 =	vld [tilespmem:s31+$0x70];
	v14 =	vmax.f32 v12, v13;
	v13 =	vmax.f32 v17, v15;
	v12 =	vmax.f32 v18, v16  }
0xf1: {  	v15 =	vmax.f32 v44, v60;
	v17 =	vmax.f32 v44, v61;
	v18 =	vmax.f32 v44, v62;
	v16 =	vld [tilespmem:s31+$0xF0]  }
0xf2: {  	v15 =	vmax.f32 v15, v20;
	v19 =	vmax.f32 v17, v59;
	v22 =	vmax.f32 v18, v63;
	v17 =	vld [tilespmem:s31+$0x170]  }
0xf3: {  	s20 =	simm.s32 $0x0;
	s21 =	simm.s32 $0x8A00;
	v20 =	vmax.f32 v15, v58;
	v18 =	vmax.f32 v19, v26;
	v15 =	vmax.f32 v22, v27;
	v19 =	vld [tilespmem:s31+$0x1F0]  }
.LBB2_5:
0xf4: {  	v24 =	vld [tilespmem:s21+$0x180];
	v10 =	vmax.f32 v20, v10;
	v11 =	vmax.f32 v18, v11;
	v15 =	vmax.f32 v15, v25  }
0xf5: {  	v25 =	vld [tilespmem:s21+$0x190];
	v7 =	vmax.f32 v10, v7;
	v6 =	vmax.f32 v11, v6;
	v10 =	vmax.f32 v15, v21  }
0xf6: {  	v15 =	vld [tilespmem:s21+$0x1A0];
	v5 =	vmax.f32 v7, v5;
	v4 =	vmax.f32 v6, v4;
	v6 =	vmax.f32 v10, v16  }
0xf7: {  	v16 =	vld [tilespmem:s21+$0x1B0];
	v3 =	vmax.f32 v5, v3;
	v2 =	vmax.f32 v4, v2;
	v4 =	vmax.f32 v6, v17  }
0xf8: {  	v20 =	vld [tilespmem:s21+$0x1C0];
	v17 =	vmax.f32 v3, v1;
	v18 =	vmax.f32 v2, v0;
	v19 =	vmax.f32 v4, v19  }
0xf9: {  	v1 =	vld [tilespmem:s21+$0x1D0]  }
0xfa: {  	v0 =	vld [tilespmem:s21+$0x1E0]  }
0xfb: {  	v26 =	vld [tilespmem:s21+$0x100]  }
0xfc: {  	v27 =	vld [tilespmem:s21+$0x110]  }
0xfd: {  	v21 =	vld [tilespmem:s21+$0x120]  }
0xfe: {  	v22 =	vld [tilespmem:s21+$0x130]  }
0xff: {  	v23 =	vld [tilespmem:s21+$0x140]  }
0x100: {  	v3 =	vld [tilespmem:s21+$0x150]  }
0x101: {  	v2 =	vld [tilespmem:s21+$0x160]  }
0x102: {  	v28 =	vld [tilespmem:s21+$0x80]  }
0x103: {  	v29 =	vld [tilespmem:s21+$0x90]  }
0x104: {  	v30 =	vld [tilespmem:s21+$0xA0]  }
0x105: {  	v31 =	vld [tilespmem:s21+$0xB0]  }
0x106: {  	v32 =	vld [tilespmem:s21+$0xC0]  }
0x107: {  	v5 =	vld [tilespmem:s21+$0xD0]  }
0x108: {  	v4 =	vld [tilespmem:s21+$0xE0]  }
0x109: {  	v33 =	vld [tilespmem:s21+$0x0]  }
0x10a: {  	v34 =	vld [tilespmem:s21+$0x10]  }
0x10b: {  	v35 =	vld [tilespmem:s21+$0x20]  }
0x10c: {  	v36 =	vld [tilespmem:s21+$0x30]  }
0x10d: {  	v37 =	vld [tilespmem:s21+$0x40]  }
0x10e: {  	v7 =	vld [tilespmem:s21+$0x50]  }
0x10f: {  	v6 =	vld [tilespmem:s21+$0x60]  }
0x110: {  	v38 =	vld [tilespmem:s21+$0xFFFFFF80]  }
0x111: {  	v39 =	vld [tilespmem:s21+$0xFFFFFF90]  }
0x112: {  	v40 =	vld [tilespmem:s21+$0xFFFFFFA0]  }
0x113: {  	v41 =	vld [tilespmem:s21+$0xFFFFFFB0]  }
0x114: {  	v42 =	vld [tilespmem:s21+$0xFFFFFFC0]  }
0x115: {  	v10 =	vld [tilespmem:s21+$0xFFFFFFD0]  }
0x116: {  	v11 =	vld [tilespmem:s21+$0xFFFFFFE0]  }
0x117: {  	v43 =	vld [tilespmem:s21+$0xFFFFFF00]  }
0x118: {  	v44 =	vld [tilespmem:s21+$0xFFFFFF10]  }
0x119: {  	v45 =	vld [tilespmem:s21+$0xFFFFFF20]  }
0x11a: {  	v46 =	vld [tilespmem:s21+$0xFFFFFE80]  }
0x11b: {  	v47 =	vld [tilespmem:s21+$0xFFFFFE00]  }
0x11c: {  	v48 =	vld [tilespmem:s21+$0xFFFFFE10]  }
0x11d: {  	v49 =	vld [tilespmem:s21+$0xFFFFFE90]  }
0x11e: {  	v50 =	vld [tilespmem:s21+$0xFFFFFF30]  }
0x11f: {  	v51 =	vld [tilespmem:s21+$0xFFFFFF40]  }
0x120: {  	v52 =	vld [tilespmem:s21+$0xFFFFFEA0]  }
0x121: {  	v9 =	vmax.f32 v9, v47;
	v8 =	vmax.f32 v8, v48;
	v47 =	vld [tilespmem:s21+$0xFFFFFEB0]  }
0x122: {  	v9 =	vmax.f32 v9, v46;
	v48 =	vld [tilespmem:s21+$0xFFFFFE20];
	v8 =	vmax.f32 v8, v49  }
0x123: {  	v9 =	vmax.f32 v9, v43;
	v46 =	vld [tilespmem:s21+$0xFFFFFE30];
	v8 =	vmax.f32 v8, v44  }
0x124: {  	v9 =	vmax.f32 v9, v38;
	v43 =	vld [tilespmem:s21+$0xFFFFFE40];
	v8 =	vmax.f32 v8, v39  }
0x125: {  	v9 =	vmax.f32 v9, v33;
	v38 =	vld [tilespmem:s21+$0xFFFFFEC0];
	v8 =	vmax.f32 v8, v34  }
0x126: {  	v9 =	vmax.f32 v9, v28;
	v33 =	vld [tilespmem:s21+$0xFFFFFF50];
	v8 =	vmax.f32 v8, v29  }
0x127: {  	v9 =	vmax.f32 v9, v26;
	v28 =	vld [tilespmem:s21+$0xFFFFFF60];
	v8 =	vmax.f32 v8, v27  }
0x128: {  	v9 =	vmax.f32 v9, v24;
	v26 =	vld [tilespmem:s21+$0xFFFFFED0];
	v8 =	vmax.f32 v8, v25  }
0x129: {  	v14 =	vmax.f32 v14, v48;
	v13 =	vmax.f32 v13, v46;
	v12 =	vmax.f32 v12, v43;
	v24 =	vld [tilespmem:s21+$0xFFFFFEE0]  }
0x12a: {  	v14 =	vmax.f32 v14, v52;
	v13 =	vmax.f32 v13, v47;
	v27 =	vld [tilespmem:s21+$0xFFFFFE50];
	v12 =	vmax.f32 v12, v38  }
0x12b: {  	v14 =	vmax.f32 v14, v45;
	v13 =	vmax.f32 v13, v50;
	v29 =	vld [tilespmem:s21+$0xFFFFFE60];
	v12 =	vmax.f32 v12, v51  }
0x12c: {  	s20 =	sadd.s32 $0x8, s20;
	v14 =	vmax.f32 v14, v40;
	v13 =	vmax.f32 v13, v41;
	v34 =	vld [tilespmem:s21+$0xFFFFFE70];
	v12 =	vmax.f32 v12, v42  }
0x12d: {  	p0 =	slt.u32 s20, $0xC0;
	v14 =	vmax.f32 v14, v35;
	v13 =	vmax.f32 v13, v36;
	v38 =	vld [tilespmem:s21+$0xFFFFFEF0];
	v12 =	vmax.f32 v12, v37  }
0x12e: {  	v14 =	vmax.f32 v14, v30;
	v13 =	vmax.f32 v13, v31;
	v35 =	vld [tilespmem:s21+$0xFFFFFF70];
	v12 =	vmax.f32 v12, v32  }
.Ltmp1:
0x12f: {  	v14 =	vmax.f32 v14, v21;
	v13 =	vmax.f32 v13, v22;
	v25 =	vld [tilespmem:s21+$0xFFFFFFF0];
	v12 =	vmax.f32 v12, v23;
	(pc) =	sbr.rel @p0 .LBB2_5-.Ltmp1, $4  }
0x130: {  	v14 =	vmax.f32 v14, v15;
	v13 =	vmax.f32 v13, v16;
	v21 =	vld [tilespmem:s21+$0x70];
	v12 =	vmax.f32 v12, v20  }
0x131: {  	v15 =	vmax.f32 v17, v27;
	v17 =	vmax.f32 v18, v29;
	v18 =	vmax.f32 v19, v34;
	v16 =	vld [tilespmem:s21+$0xF0]  }
0x132: {  	v15 =	vmax.f32 v15, v26;
	v19 =	vmax.f32 v17, v24;
	v22 =	vmax.f32 v18, v38;
	v17 =	vld [tilespmem:s21+$0x170]  }
0x133: {  	v20 =	vmax.f32 v15, v33;
	v18 =	vmax.f32 v19, v28;
	v15 =	vmax.f32 v22, v35;
	v19 =	vld [tilespmem:s21+$0x1F0];
	s21 =	sadd.s32 $0x400, s21  }
0x134: {  	s19 =	sshll.u32 s19, $0x7  }
0x135: {  	s19 =	sand.u32 $0x3FFFFF80, s19  }
0x136: {  	v10 =	vmax.f32 v20, v10;
	[tilespmem:s19+$0xE800] =	vst v9  }
0x137: {  	v58 =	vmax.f32 v18, v11;
	s18 =	sadd.s32 $0x1, s18;
	v7 =	vmax.f32 v10, v7;
	[tilespmem:s19+$0xE810] =	vst v8  }
0x138: {  	v59 =	vmax.f32 v15, v25;
	v6 =	vmax.f32 v58, v6;
	p0 =	sne.s32 s18, $0x10;
	v5 =	vmax.f32 v7, v5;
	[tilespmem:s19+$0xE820] =	vst v14  }
.Ltmp2:
0x139: {  	v60 =	vmax.f32 v59, v21;
	v4 =	vmax.f32 v6, v4;
	[tilespmem:s19+$0xE830] =	vst v13;
	v3 =	vmax.f32 v5, v3;
	(pc) =	sbr.rel @p0 .LBB2_2-.Ltmp2, $4  }
0x13a: {  	v61 =	vmax.f32 v60, v16;
	[tilespmem:s19+$0xE840] =	vst v12;
	v2 =	vmax.f32 v4, v2;
	v1 =	vmax.f32 v3, v1  }
0x13b: {  	v62 =	vmax.f32 v61, v17;
	v0 =	vmax.f32 v2, v0;
	[tilespmem:s19+$0xE850] =	vst v1  }
0x13c: {  	v63 =	vmax.f32 v62, v19;
	[tilespmem:s19+$0xE860] =	vst v0  }
0x13d: {  	[tilespmem:s19+$0xE870] =	vst v63  }
0x13e: {  	s17 =	sadd.s32 $0x1, s17  }
0x13f: {  	p0 =	sne.s32 s17, s6  }
.Ltmp3:
0x140: {  	_ = 	snop;
	(pc) =	sbr.rel @p0 .LBB2_1-.Ltmp3, $4  }
0x141: {  	[hbm4b:s5+s3] =	stream.linear.scatter [tilespmem:s16], [sflag:$0x3], $0x1000, $0x38;
	[tilespmem:$0xF800] =	vst v63  }
0x142: {  	_ =	swait.ge [sflag:s7], $0x1000  }
0x143: {  	[sflag:s7] =	ssyncset.done $0x0  }
0x144: {  	[sflag:s7] =	ssyncadd.s32 $0xFFFFF000  }
0x145: {  	_ =	sfence.sel $0x180000  }
0x146: {  	[bflag:$0x0] =	sbarrier.arrive $0xFFFF  }
0x147: {  	p0 =	sne.s32 s2, $0x0;
	_ =	strace $0x90000047  }
0x148: {  	s0 =	sadd.s32 @!p0 $0x100000, s0;
	[bflag:$0x2] =	sbarrier.arrive $0xFFFF  }
0x149: {  	[sflag:s0] =	ssyncadd.tile.s32 @!p0 $0x1;
	_ =	shalt  }
.Lfunc_end2:
_tile_overlayer_lowered:
.L_overlay_start_2:
0x14a: {  	(tag) =	ssettag $0x2  }
0x14b: {  	s0 =	rddreg [dreg:$0x0];
	s2 =	stileid.u32  }
0x14c: {  	s1 =	rddreg [dreg:$0x1];
	p0 =	sne.s32 s2, $0x0  }
0x14d: {  	s3 =	rddreg [dreg:$0x2];
	[bflag:$0x3] =	sbarrier.arrive $0xFFFF;
	s2 =	simm.s32 @!p0 $0x1C03  }
0x14e: {  	[timem:s3], [sflag:s2] =	dma.local @!p0 [hbm:s0], s1  }
0x14f: {  	s0 =	simm.s32 @!p0 $0x3  }
0x150: {  	_ =	swait.ge @!p0 [sflag:s0], s1  }
0x151: {  	s1 =	ssub.s32 @!p0 $0x0, s1;
	[sflag:s0] =	ssyncset.done @!p0 $0x0  }
0x152: {  	[sflag:s0] =	ssyncadd.s32 @!p0 s1  }
0x153: {  	[bflag:$0x3] =	sbarrier.arrive $0xFFFF  }
0x154: {  	_ =	shalt  }

</sc_bundles>
